<compile_context>
chip_gen: v7x
topology: tpu7x:2x2x1
jax: 0.10.2.dev20260603
libtpu: 0.0.44.dev20260713+nightly
codegen_flags: <defaults>
</compile_context>

<pallas_src>
import jax
import jax.numpy as jnp
from jax import lax
from jax.experimental import pallas as pl
from jax.experimental.pallas import tpu as pltpu
from jax.experimental.pallas import tpu_sc as plsc

NF = 60082
NC = 14695
DIM = 64
B = 8
L = 50
LP = 64
NS = 2 * LP * B
BLK = 4096
NB = (NF + BLK - 1) // BLK
VLEN = NB * BLK
CH = VLEN // 32


def _dense_body(ft, femb, remb, wproj, bproj, fcw, fcwt, fcb, fccw, fccb,
                cemb, ctab, thw, cid, now_v, his_v, w1t, b1, w2t, b2,
                vrow, fewrow, hmwrow, cb16, exm,
                ct_rows, th_g):
    i = pl.program_id(0)

    @pl.when(i == 0)
    def _():
        def gather_c(k, _):
            c = cid[0, k]
            ct_rows[pl.ds(k, 1), :] = ctab[pl.ds(c, 1), :]
            r = thw[pl.ds(c // 128, 1), :]
            lane = lax.broadcasted_iota(jnp.int32, (1, 128), 1)
            th_g[pl.ds(k, 1), :] = jnp.sum(
                jnp.where(lane == c % 128, r, 0.0), axis=1, keepdims=True)
            return 0

        lax.fori_loop(0, B, gather_c, 0)
        th = th_g[...]
        cms = (1.0 - th) * cemb[...] + th * ct_rows[...]
        c8 = (jnp.sum(cms * fccw[...], axis=1, keepdims=True)
              + fccb[0, 0] + fcb[0, 0])
        cb16[...] = jnp.broadcast_to(c8, (B, 16))
        eq = now_v[...][:, :, None] == his_v[...][:, None, :]
        in_his = jnp.any(eq, axis=2)
        in_now = jnp.any(eq, axis=1)
        exm[...] = jnp.concatenate(
            [in_his.astype(jnp.float32), in_now.astype(jnp.float32)],
            axis=1)

    bf = jnp.bfloat16
    f32 = jnp.float32
    w_eff = jnp.sum(wproj[...] * fcwt[...], axis=0, keepdims=True)
    b_eff = jnp.sum(bproj[...] * fcw[...])
    fcw_b = fcw[...].astype(bf)
    vrow[...] = (lax.dot_general(w_eff.astype(bf), ft[...].astype(bf),
                                 (((1,), (1,)), ((), ())),
                                 preferred_element_type=f32)
                 + b_eff).reshape(BLK)
    fewrow[...] = lax.dot_general(fcw_b, femb[...].astype(bf),
                                  (((1,), (1,)), ((), ())),
                                  preferred_element_type=f32).reshape(BLK)
    h = lax.dot_general(remb[...].astype(bf), w1t[...].astype(bf),
                        (((1,), (0,)), ((), ())),
                        preferred_element_type=f32) + b1[...]
    h = jnp.maximum(h, 0.01 * h)
    hm = lax.dot_general(h.astype(bf), w2t[...].astype(bf),
                         (((1,), (0,)), ((), ())),
                         preferred_element_type=f32) + b2[...]
    hmwrow[...] = lax.dot_general(fcw_b, hm.astype(bf),
                                  (((1,), (1,)), ((), ())),
                                  preferred_element_type=f32).reshape(BLK)


def _sc_body(vflat, aflat, fewflat, hmwflat, cbvec, sidx, sb, sval_ex, out,
             tbuf, gbuf, outbuf, vbuf, cbuf, idxv, bv, exv, locg, spg,
             sem, sem2):
    cidx = lax.axis_index("c")
    sid = lax.axis_index("s")
    wid = sid * 2 + cidx
    base = wid * CH

    h1 = pltpu.async_copy(vflat.at[pl.ds(base, CH)], vbuf, sem)
    h2 = pltpu.async_copy(cbvec, cbuf, sem)
    h3 = pltpu.async_copy(sidx, idxv, sem)
    h4 = pltpu.async_copy(sb, bv, sem)
    h5 = pltpu.async_copy(sval_ex, exv, sem)

    @pl.when(sid == 0)
    def _():
        pltpu.async_copy(vflat, tbuf, sem2).wait()

    @pl.when(sid == 1)
    def _():
        pltpu.async_copy(aflat, tbuf, sem2).wait()

    @pl.when(sid == 2)
    def _():
        pltpu.async_copy(fewflat, tbuf, sem2).wait()

    @pl.when(sid == 3)
    def _():
        pltpu.async_copy(hmwflat, tbuf, sem2).wait()

    h1.wait()
    h2.wait()
    h3.wait()
    h4.wait()
    h5.wait()

    @pl.when(sid < 4)
    def _():
        def g(c, _):
            sl = pl.ds(c * 16, 16)
            gbuf[sl] = plsc.load_gather(tbuf, [idxv[sl]])
            return 0

        lax.fori_loop(0, NS // 16, g, 0)
        pltpu.sync_copy(gbuf, spg.at[pl.ds(sid * NS, NS)])

    cbs = [cbuf[pl.ds(b * 16, 16)] for b in range(B)]

    def fill(j, _):
        vv = vbuf[pl.ds(j * 16, 16)]
        for b in range(B):
            outbuf[pl.ds(b * CH + j * 16, 16)] = vv + cbs[b]
        return 0

    lax.fori_loop(0, CH // 16, fill, 0)

    plsc.subcore_barrier()

    pltpu.sync_copy(spg, locg)

    def scat(c, _):
        sl = pl.ds(c * 16, 16)
        vg = locg[pl.ds(0 * NS + c * 16, 16)]
        ag = locg[pl.ds(1 * NS + c * 16, 16)]
        fg = locg[pl.ds(2 * NS + c * 16, 16)]
        hg = locg[pl.ds(3 * NS + c * 16, 16)]
        is_now = (c % 8) < 4
        p = jnp.where(is_now, fg, hg)
        s = jnp.where(is_now, hg, fg)
        bvv = bv[sl]
        c8e = plsc.load_gather(cbuf, [bvv * 16])
        val = vg + c8e + ag * (p - vg + exv[sl] * s)
        iv = idxv[sl]
        m = (iv >= base) & (iv < base + CH)
        flat = bvv * CH + (iv - base)
        plsc.store_scatter(outbuf, [flat], val, mask=m)
        return 0

    lax.fori_loop(0, NS // 16, scat, 0)

    hs = [pltpu.async_copy(outbuf.at[pl.ds(b * CH, CH)],
                           out.at[pl.ds(b * VLEN + base, CH)], sem)
          for b in range(B)]
    for h in hs:
        h.wait()


def _pad_idx(x):
    return jnp.concatenate(
        [x, jnp.broadcast_to(x[:, -1:], (B, LP - L))], axis=1)


def kernel(company_emb, field_emb, nodes, com_id, hier_embed, raw_field_embed,
           raw_hier_embed, company_table, field_table, W_proj, b_proj, theta,
           alpha_fields, fc_field_w, fc_field_b, fc_company_w, fc_company_b,
           w1, b1, w2, b2):
    nodes = nodes.astype(jnp.int32)
    his = _pad_idx(nodes[:, 0, :])
    now = _pad_idx(nodes[:, 1, :])
    cid2 = com_id.astype(jnp.int32).reshape(1, B)

    thw = jnp.concatenate(
        [theta[:, 0],
         jnp.zeros((115 * 128 - NC,), jnp.float32)]).reshape(115, 128)
    aflat = jnp.concatenate(
        [alpha_fields[:, 0], jnp.zeros((VLEN - NF,), jnp.float32)])
    bproj2 = b_proj.reshape(1, DIM)
    fcb2 = fc_field_b.reshape(1, 1)
    fccb2 = fc_company_b.reshape(1, 1)
    b1r = b1.reshape(1, DIM // 2)
    b2r = b2.reshape(1, DIM)

    blk = lambda r, c: pl.BlockSpec((r, c), lambda i: (0, 0))
    vflat, fewflat, hmwflat, cb16, exm = pl.pallas_call(
        _dense_body,
        grid=(NB,),
        compiler_params=pltpu.CompilerParams(
            allow_input_fusion=[True, True, True] + [False] * 17),
        in_specs=[
            pl.BlockSpec((BLK, DIM), lambda i: (i, 0)),
            pl.BlockSpec((BLK, DIM), lambda i: (i, 0)),
            pl.BlockSpec((BLK, DIM), lambda i: (i, 0)),
            blk(DIM, DIM),
            blk(1, DIM),
            blk(1, DIM),
            blk(DIM, 1),
            blk(1, 1),
            blk(1, DIM),
            blk(1, 1),
            blk(B, DIM),
            blk(NC, DIM),
            blk(115, 128),
            pl.BlockSpec((1, B), lambda i: (0, 0),
                         memory_space=pltpu.SMEM),
            blk(B, LP),
            blk(B, LP),
            blk(DIM, DIM // 2),
            blk(1, DIM // 2),
            blk(DIM // 2, DIM),
            blk(1, DIM),
        ],
        out_specs=[
            pl.BlockSpec((BLK,), lambda i: (i,)),
            pl.BlockSpec((BLK,), lambda i: (i,)),
            pl.BlockSpec((BLK,), lambda i: (i,)),
            pl.BlockSpec((B, 16), lambda i: (0, 0)),
            pl.BlockSpec((B, 2 * LP), lambda i: (0, 0)),
        ],
        out_shape=[
            jax.ShapeDtypeStruct((VLEN,), jnp.float32),
            jax.ShapeDtypeStruct((VLEN,), jnp.float32),
            jax.ShapeDtypeStruct((VLEN,), jnp.float32),
            jax.ShapeDtypeStruct((B, 16), jnp.float32),
            jax.ShapeDtypeStruct((B, 2 * LP), jnp.float32),
        ],
        scratch_shapes=[
            pltpu.VMEM((B, DIM), jnp.float32),
            pltpu.VMEM((B, 1), jnp.float32),
        ],
    )(field_table, field_emb, raw_field_embed, W_proj, bproj2, fc_field_w,
      fc_field_w.T, fcb2, fc_company_w, fccb2, company_emb, company_table,
      thw, cid2, now, his, w1.T, b1r, w2.T, b2r)

    scat_idx = jnp.concatenate([now, his], axis=1).reshape(NS)
    scat_b = jnp.broadcast_to(jnp.arange(B, dtype=jnp.int32)[:, None],
                              (B, 2 * LP)).reshape(NS)
    exflat = exm.reshape(NS)

    mesh = plsc.VectorSubcoreMesh(core_axis_name="c", subcore_axis_name="s")
    out = pl.kernel(
        _sc_body,
        out_type=jax.ShapeDtypeStruct((B * VLEN,), jnp.float32),
        mesh=mesh,
        compiler_params=pltpu.CompilerParams(needs_layout_passes=False),
        scratch_types=[
            pltpu.VMEM((VLEN,), jnp.float32),
            pltpu.VMEM((NS,), jnp.float32),
            pltpu.VMEM((B * CH,), jnp.float32),
            pltpu.VMEM((CH,), jnp.float32),
            pltpu.VMEM((B * 16,), jnp.float32),
            pltpu.VMEM((NS,), jnp.int32),
            pltpu.VMEM((NS,), jnp.int32),
            pltpu.VMEM((NS,), jnp.float32),
            pltpu.VMEM((4 * NS,), jnp.float32),
            pltpu.VMEM_SHARED((4 * NS,), jnp.float32),
            pltpu.SemaphoreType.DMA,
            pltpu.SemaphoreType.DMA,
        ],
    )(vflat, aflat, fewflat, hmwflat, cb16.reshape(B * 16), scat_idx,
      scat_b, exflat)

    return out.reshape(B, VLEN)[:, :NF]

# --- scband reference (transcript-rebuilt; emitter-appended) ---
"""Pipeline reference for scband-edgpat-23785528885485 (READ-ONLY COPY).

The authoritative reference and input builder live on the scoring server;
editing this copy changes nothing except your own understanding.
"""

import jax, jax.numpy as jnp
import numpy as np

N_FIELDS = 60082
N_COMPANY = 14695
DIM = 64
B = 8
L = 50


def setup_inputs(seed: int = 0) -> dict:
    key = jax.random.key(seed)
    ks = jax.random.split(key, 20)
    inp = {}
    inp["company_emb"] = jax.random.normal(ks[0], (B, DIM), dtype=jnp.float32)
    inp["field_emb"] = jax.random.normal(ks[1], (N_FIELDS, DIM), dtype=jnp.float32)
    inp["nodes"] = jax.random.randint(ks[2], (B, 2, L), 0, N_FIELDS)
    inp["com_id"] = jax.random.randint(ks[3], (B,), 0, N_COMPANY)
    inp["hier_embed"] = jnp.zeros((1, 1), dtype=jnp.float32)
    inp["raw_field_embed"] = jax.random.normal(ks[4], (N_FIELDS, DIM), dtype=jnp.float32)
    inp["raw_hier_embed"] = jnp.zeros((1, 1), dtype=jnp.float32)
    # learned parameters
    inp["company_table"] = jax.random.normal(ks[5], (N_COMPANY, DIM), dtype=jnp.float32) * 0.02
    inp["field_table"] = jax.random.normal(ks[6], (N_FIELDS, DIM), dtype=jnp.float32) * 0.02
    inp["W_proj"] = jax.random.normal(ks[7], (DIM, DIM), dtype=jnp.float32) * 0.05
    inp["b_proj"] = jnp.zeros((DIM,), dtype=jnp.float32)
    inp["theta"] = jax.random.uniform(ks[8], (N_COMPANY, 1), dtype=jnp.float32)
    inp["alpha_fields"] = jax.random.uniform(ks[9], (N_FIELDS, 1), dtype=jnp.float32)
    inp["fc_field_w"] = jax.random.normal(ks[10], (1, DIM), dtype=jnp.float32) * 0.05
    inp["fc_field_b"] = jnp.zeros((1,), dtype=jnp.float32)
    inp["fc_company_w"] = jax.random.normal(ks[11], (1, DIM), dtype=jnp.float32) * 0.05
    inp["fc_company_b"] = jnp.zeros((1,), dtype=jnp.float32)
    inp["w1"] = jax.random.normal(ks[12], (DIM // 2, DIM), dtype=jnp.float32) * 0.05
    inp["b1"] = jnp.zeros((DIM // 2,), dtype=jnp.float32)
    inp["w2"] = jax.random.normal(ks[13], (DIM, DIM // 2), dtype=jnp.float32) * 0.05
    inp["b2"] = jnp.zeros((DIM,), dtype=jnp.float32)
    return inp


def reference(company_emb, field_emb, nodes, com_id, hier_embed, raw_field_embed,
              raw_hier_embed, company_table, field_table, W_proj, b_proj, theta,
              alpha_fields, fc_field_w, fc_field_b, fc_company_w, fc_company_b,
              w1, b1, w2, b2):
    # company memory mixing: (1 - theta) * dynamic + theta * static embedding
    theta_c = theta[com_id]                                   # [B, 1] gather
    company_mem_stat = (1.0 - theta_c) * company_emb + theta_c * company_table[com_id]
    # dropout is identity in eval mode
    proj_all = field_table @ W_proj.T + b_proj                # [N_FIELDS, DIM]

    def per_user(user_node, cstat):
        his = user_node[0]                                    # [L]
        now = user_node[1]                                    # [L]
        beta = jnp.zeros((N_FIELDS, 1), dtype=jnp.float32)
        beta = beta.at[now].set(1.0)                          # scatter-overwrite
        beta = beta.at[his].set(1.0)
        embed = (1.0 - beta * alpha_fields) * proj_all        # [N_FIELDS, DIM]
        now_proj = field_emb[now]                             # gather [L, DIM]
        embed = embed.at[now].set(embed[now] + alpha_fields[now] * now_proj)
        h = raw_field_embed[his]                              # gather [L, DIM]
        h = jax.nn.leaky_relu(h @ w1.T + b1, negative_slope=0.01)
        his_mlp = h @ w2.T + b2
        embed = embed.at[his].set(embed[his] + alpha_fields[his] * his_mlp)
        fields_out = embed @ fc_field_w.T + fc_field_b        # [N_FIELDS, 1]
        company_out = cstat @ fc_company_w.T + fc_company_b   # [1]
        return fields_out[:, 0] + company_out[0]              # [N_FIELDS]

    out = jax.vmap(per_user)(nodes, company_mem_stat)         # [B, N_FIELDS]
    return out

if __name__ == "__main__":
    import jax
    _d = setup_inputs()
    print(jax.jit(kernel)(*tuple(_d.values())))

</pallas_src>

<mosaic_0001>
#map = affine_map<(d0, d1) -> (0)>
module attributes {stable_mosaic.version = 14 : i64} {
  func.func @_sc_body(%arg0: i32, %arg1: i32, %arg2: memref<61440xf32, #tpu.memory_space<hbm>>, %arg3: memref<61440xf32, #tpu.memory_space<hbm>>, %arg4: memref<61440xf32, #tpu.memory_space<hbm>>, %arg5: memref<61440xf32, #tpu.memory_space<hbm>>, %arg6: memref<128xf32, #tpu.memory_space<hbm>>, %arg7: memref<1024xi32, #tpu.memory_space<hbm>>, %arg8: memref<1024xi32, #tpu.memory_space<hbm>>, %arg9: memref<1024xf32, #tpu.memory_space<hbm>>, %arg10: memref<491520xf32, #tpu.memory_space<hbm>>, %arg11: memref<61440xf32, #tpu.memory_space<vmem>>, %arg12: memref<1024xf32, #tpu.memory_space<vmem>>, %arg13: memref<15360xf32, #tpu.memory_space<vmem>>, %arg14: memref<1920xf32, #tpu.memory_space<vmem>>, %arg15: memref<128xf32, #tpu.memory_space<vmem>>, %arg16: memref<1024xi32, #tpu.memory_space<vmem>>, %arg17: memref<1024xi32, #tpu.memory_space<vmem>>, %arg18: memref<1024xf32, #tpu.memory_space<vmem>>, %arg19: memref<4096xf32, #tpu.memory_space<vmem>>, %arg20: memref<4096xf32, #tpu.memory_space<vmem_shared>>, %arg21: memref<!tpu.dma_semaphore, #tpu.memory_space<semaphore_mem>>, %arg22: memref<!tpu.dma_semaphore, #tpu.memory_space<semaphore_mem>>) attributes {dimension_semantics = [#tpu.dimension_semantics<core_parallel>, #tpu.dimension_semantics<subcore_parallel>], iteration_bounds = array<i64: 2, 16>, scalar_prefetch = 0 : i64, scratch_operands = 12 : i64, tpu.core_type = #tpu.core_type<sc_vector_subcore>, window_params = [{transform_indices = #map}, {transform_indices = #map}, {transform_indices = #map}, {transform_indices = #map}, {transform_indices = #map}, {transform_indices = #map}, {transform_indices = #map}, {transform_indices = #map}, {transform_indices = #map}]} {
    %mul3A = arith.constant 2 : i32
    %mul3A_0 = arith.muli %arg1, %mul3A : i32
    %add3A = arith.addi %mul3A_0, %arg0 : i32
    %mul3A_1 = arith.constant 1920 : i32
    %mul3A_2 = arith.muli %add3A, %mul3A_1 : i32
    %dma_start3A = tpu.memref_slice %arg2[%mul3A_2] : memref<61440xf32, #tpu.memory_space<hbm>> -> memref<1920xf32, #tpu.memory_space<hbm>>
    %dma_start3A_3 = tpu.memref_slice %arg2[%mul3A_2] : memref<61440xf32, #tpu.memory_space<hbm>> -> memref<1920xf32, #tpu.memory_space<hbm>>
    tpu.enqueue_dma source(%dma_start3A_3 : memref<1920xf32, #tpu.memory_space<hbm>>) target(%arg14 : memref<1920xf32, #tpu.memory_space<vmem>>) target_semaphore(%arg21 : memref<!tpu.dma_semaphore, #tpu.memory_space<semaphore_mem>>)
    tpu.enqueue_dma source(%arg6 : memref<128xf32, #tpu.memory_space<hbm>>) target(%arg15 : memref<128xf32, #tpu.memory_space<vmem>>) target_semaphore(%arg21 : memref<!tpu.dma_semaphore, #tpu.memory_space<semaphore_mem>>)
    tpu.enqueue_dma source(%arg7 : memref<1024xi32, #tpu.memory_space<hbm>>) target(%arg16 : memref<1024xi32, #tpu.memory_space<vmem>>) target_semaphore(%arg21 : memref<!tpu.dma_semaphore, #tpu.memory_space<semaphore_mem>>)
    tpu.enqueue_dma source(%arg8 : memref<1024xi32, #tpu.memory_space<hbm>>) target(%arg17 : memref<1024xi32, #tpu.memory_space<vmem>>) target_semaphore(%arg21 : memref<!tpu.dma_semaphore, #tpu.memory_space<semaphore_mem>>)
    tpu.enqueue_dma source(%arg9 : memref<1024xf32, #tpu.memory_space<hbm>>) target(%arg18 : memref<1024xf32, #tpu.memory_space<vmem>>) target_semaphore(%arg21 : memref<!tpu.dma_semaphore, #tpu.memory_space<semaphore_mem>>)
    %eq3A = arith.constant 0 : i32
    %eq3A_4 = arith.cmpi eq, %arg1, %eq3A : i32
    %convert_element_type3A = arith.extui %eq3A_4 : i1 to i32
    %cond3A = arith.constant 0 : i32
    %cond3A_5 = arith.cmpi ne, %convert_element_type3A, %cond3A : i32
    scf.if %cond3A_5 {
      tpu.enqueue_dma source(%arg2 : memref<61440xf32, #tpu.memory_space<hbm>>) target(%arg11 : memref<61440xf32, #tpu.memory_space<vmem>>) target_semaphore(%arg22 : memref<!tpu.dma_semaphore, #tpu.memory_space<semaphore_mem>>)
      tpu.wait_dma2 semaphore(%arg22 : memref<!tpu.dma_semaphore, #tpu.memory_space<semaphore_mem>>) src(%arg2 : memref<61440xf32, #tpu.memory_space<hbm>>) dst(%arg11 : memref<61440xf32, #tpu.memory_space<vmem>>)
    } else {
    }
    %eq3A_6 = arith.constant 1 : i32
    %eq3A_7 = arith.cmpi eq, %arg1, %eq3A_6 : i32
    %convert_element_type3A_8 = arith.extui %eq3A_7 : i1 to i32
    %cond3A_9 = arith.constant 0 : i32
    %cond3A_10 = arith.cmpi ne, %convert_element_type3A_8, %cond3A_9 : i32
    scf.if %cond3A_10 {
      tpu.enqueue_dma source(%arg3 : memref<61440xf32, #tpu.memory_space<hbm>>) target(%arg11 : memref<61440xf32, #tpu.memory_space<vmem>>) target_semaphore(%arg22 : memref<!tpu.dma_semaphore, #tpu.memory_space<semaphore_mem>>)
      tpu.wait_dma2 semaphore(%arg22 : memref<!tpu.dma_semaphore, #tpu.memory_space<semaphore_mem>>) src(%arg3 : memref<61440xf32, #tpu.memory_space<hbm>>) dst(%arg11 : memref<61440xf32, #tpu.memory_space<vmem>>)
    } else {
    }
    %eq3A_11 = arith.constant 2 : i32
    %eq3A_12 = arith.cmpi eq, %arg1, %eq3A_11 : i32
    %convert_element_type3A_13 = arith.extui %eq3A_12 : i1 to i32
    %cond3A_14 = arith.constant 0 : i32
    %cond3A_15 = arith.cmpi ne, %convert_element_type3A_13, %cond3A_14 : i32
    scf.if %cond3A_15 {
      tpu.enqueue_dma source(%arg4 : memref<61440xf32, #tpu.memory_space<hbm>>) target(%arg11 : memref<61440xf32, #tpu.memory_space<vmem>>) target_semaphore(%arg22 : memref<!tpu.dma_semaphore, #tpu.memory_space<semaphore_mem>>)
      tpu.wait_dma2 semaphore(%arg22 : memref<!tpu.dma_semaphore, #tpu.memory_space<semaphore_mem>>) src(%arg4 : memref<61440xf32, #tpu.memory_space<hbm>>) dst(%arg11 : memref<61440xf32, #tpu.memory_space<vmem>>)
    } else {
    }
    %eq3A_16 = arith.constant 3 : i32
    %eq3A_17 = arith.cmpi eq, %arg1, %eq3A_16 : i32
    %convert_element_type3A_18 = arith.extui %eq3A_17 : i1 to i32
    %cond3A_19 = arith.constant 0 : i32
    %cond3A_20 = arith.cmpi ne, %convert_element_type3A_18, %cond3A_19 : i32
    scf.if %cond3A_20 {
      tpu.enqueue_dma source(%arg5 : memref<61440xf32, #tpu.memory_space<hbm>>) target(%arg11 : memref<61440xf32, #tpu.memory_space<vmem>>) target_semaphore(%arg22 : memref<!tpu.dma_semaphore, #tpu.memory_space<semaphore_mem>>)
      tpu.wait_dma2 semaphore(%arg22 : memref<!tpu.dma_semaphore, #tpu.memory_space<semaphore_mem>>) src(%arg5 : memref<61440xf32, #tpu.memory_space<hbm>>) dst(%arg11 : memref<61440xf32, #tpu.memory_space<vmem>>)
    } else {
    }
    %dma_wait3A = tpu.memref_slice %arg2[%mul3A_2] : memref<61440xf32, #tpu.memory_space<hbm>> -> memref<1920xf32, #tpu.memory_space<hbm>>
    %dma_wait3A_21 = tpu.memref_slice %arg2[%mul3A_2] : memref<61440xf32, #tpu.memory_space<hbm>> -> memref<1920xf32, #tpu.memory_space<hbm>>
    tpu.wait_dma2 semaphore(%arg21 : memref<!tpu.dma_semaphore, #tpu.memory_space<semaphore_mem>>) src(%dma_wait3A_21 : memref<1920xf32, #tpu.memory_space<hbm>>) dst(%arg14 : memref<1920xf32, #tpu.memory_space<vmem>>)
    tpu.wait_dma2 semaphore(%arg21 : memref<!tpu.dma_semaphore, #tpu.memory_space<semaphore_mem>>) src(%arg6 : memref<128xf32, #tpu.memory_space<hbm>>) dst(%arg15 : memref<128xf32, #tpu.memory_space<vmem>>)
    tpu.wait_dma2 semaphore(%arg21 : memref<!tpu.dma_semaphore, #tpu.memory_space<semaphore_mem>>) src(%arg7 : memref<1024xi32, #tpu.memory_space<hbm>>) dst(%arg16 : memref<1024xi32, #tpu.memory_space<vmem>>)
    tpu.wait_dma2 semaphore(%arg21 : memref<!tpu.dma_semaphore, #tpu.memory_space<semaphore_mem>>) src(%arg8 : memref<1024xi32, #tpu.memory_space<hbm>>) dst(%arg17 : memref<1024xi32, #tpu.memory_space<vmem>>)
    tpu.wait_dma2 semaphore(%arg21 : memref<!tpu.dma_semaphore, #tpu.memory_space<semaphore_mem>>) src(%arg9 : memref<1024xf32, #tpu.memory_space<hbm>>) dst(%arg18 : memref<1024xf32, #tpu.memory_space<vmem>>)
    %lt3A = arith.constant 4 : i32
    %lt3A_22 = arith.cmpi slt, %arg1, %lt3A : i32
    %convert_element_type3A_23 = arith.extui %lt3A_22 : i1 to i32
    %cond3A_24 = arith.constant 0 : i32
    %cond3A_25 = arith.cmpi ne, %convert_element_type3A_23, %cond3A_24 : i32
    scf.if %cond3A_25 {
      %scan3A_166 = arith.constant 0 : i32
      %scan3A_167 = arith.constant 0 : i32
      %scan3A_168 = arith.constant 64 : i32
      %scan3A_169 = arith.addi %scan3A_167, %scan3A_168 : i32
      %scan3A_170 = arith.constant 1 : i32
      %scan3A_171 = scf.for %scan3A_175 = %scan3A_167 to %scan3A_169 step %scan3A_170 iter_args(%scan3A_176 = %scan3A_166) -> (i32)  : i32 {
        %mul3A_177 = arith.constant 16 : i32
        %mul3A_178 = arith.muli %scan3A_175, %mul3A_177 : i32
        %get3A_179 = arith.index_cast %mul3A_178 : i32 to index
        %get3A_180 = tpu.vector_load %arg16[%get3A_179] {strides = array<i32>} : memref<1024xi32, #tpu.memory_space<vmem>>, vector<16xi32>,
        %gather3A = tpu.vector_load_idx %arg11[%get3A_180] : memref<61440xf32, #tpu.memory_space<vmem>>[vector<16xi32>], vector<16xf32>,
        %swap3A = arith.index_cast %mul3A_178 : i32 to index
        %swap3A_181 = tpu.vector_load %arg12[%swap3A] {strides = array<i32>} : memref<1024xf32, #tpu.memory_space<vmem>>, vector<16xf32>,
        tpu.vector_store %arg12[%swap3A], %gather3A {strides = array<i32>} : memref<1024xf32, #tpu.memory_space<vmem>>, vector<16xf32>,
        %scan3A_182 = arith.constant 0 : i32
        scf.yield %scan3A_182 : i32
      }
      %scan3A_172 = arith.constant 64 : i32
      %mul3A_173 = arith.constant 1024 : i32
      %mul3A_174 = arith.muli %arg1, %mul3A_173 : i32
      "tpu.region"() ({
        %run_scoped3A = tpu.sem_alloc : memref<!tpu.dma_semaphore, #tpu.memory_space<semaphore_mem>>
        %dma_start3A_175 = tpu.memref_slice %arg20[%mul3A_174] : memref<4096xf32, #tpu.memory_space<vmem_shared>> -> memref<1024xf32, #tpu.memory_space<vmem_shared>>
        %dma_start3A_176 = tpu.memref_slice %arg20[%mul3A_174] : memref<4096xf32, #tpu.memory_space<vmem_shared>> -> memref<1024xf32, #tpu.memory_space<vmem_shared>>
        tpu.enqueue_dma source(%arg12 : memref<1024xf32, #tpu.memory_space<vmem>>) target(%dma_start3A_176 : memref<1024xf32, #tpu.memory_space<vmem_shared>>) target_semaphore(%run_scoped3A : memref<!tpu.dma_semaphore, #tpu.memory_space<semaphore_mem>>)
        %dma_wait3A_177 = tpu.memref_slice %arg20[%mul3A_174] : memref<4096xf32, #tpu.memory_space<vmem_shared>> -> memref<1024xf32, #tpu.memory_space<vmem_shared>>
        %dma_wait3A_178 = tpu.memref_slice %arg20[%mul3A_174] : memref<4096xf32, #tpu.memory_space<vmem_shared>> -> memref<1024xf32, #tpu.memory_space<vmem_shared>>
        tpu.wait_dma2 semaphore(%run_scoped3A : memref<!tpu.dma_semaphore, #tpu.memory_space<semaphore_mem>>) src(%arg12 : memref<1024xf32, #tpu.memory_space<vmem>>) dst(%dma_wait3A_178 : memref<1024xf32, #tpu.memory_space<vmem_shared>>)
        tpu.yield
      }) : () -> ()
    } else {
    }
    %get3A = arith.constant 0 : index
    %get3A_26 = tpu.vector_load %arg15[%get3A] {strides = array<i32>} : memref<128xf32, #tpu.memory_space<vmem>>, vector<16xf32>,
    %get3A_27 = arith.constant 16 : index
    %get3A_28 = tpu.vector_load %arg15[%get3A_27] {strides = array<i32>} : memref<128xf32, #tpu.memory_space<vmem>>, vector<16xf32>,
    %get3A_29 = arith.constant 32 : index
    %get3A_30 = tpu.vector_load %arg15[%get3A_29] {strides = array<i32>} : memref<128xf32, #tpu.memory_space<vmem>>, vector<16xf32>,
    %get3A_31 = arith.constant 48 : index
    %get3A_32 = tpu.vector_load %arg15[%get3A_31] {strides = array<i32>} : memref<128xf32, #tpu.memory_space<vmem>>, vector<16xf32>,
    %get3A_33 = arith.constant 64 : index
    %get3A_34 = tpu.vector_load %arg15[%get3A_33] {strides = array<i32>} : memref<128xf32, #tpu.memory_space<vmem>>, vector<16xf32>,
    %get3A_35 = arith.constant 80 : index
    %get3A_36 = tpu.vector_load %arg15[%get3A_35] {strides = array<i32>} : memref<128xf32, #tpu.memory_space<vmem>>, vector<16xf32>,
    %get3A_37 = arith.constant 96 : index
    %get3A_38 = tpu.vector_load %arg15[%get3A_37] {strides = array<i32>} : memref<128xf32, #tpu.memory_space<vmem>>, vector<16xf32>,
    %get3A_39 = arith.constant 112 : index
    %get3A_40 = tpu.vector_load %arg15[%get3A_39] {strides = array<i32>} : memref<128xf32, #tpu.memory_space<vmem>>, vector<16xf32>,
    %scan3A = arith.constant 0 : i32
    %scan3A_41 = arith.constant 0 : i32
    %scan3A_42 = arith.constant 120 : i32
    %scan3A_43 = arith.addi %scan3A_41, %scan3A_42 : i32
    %scan3A_44 = arith.constant 1 : i32
    %scan3A_45 = scf.for %scan3A_166 = %scan3A_41 to %scan3A_43 step %scan3A_44 iter_args(%scan3A_167 = %scan3A) -> (i32)  : i32 {
      %mul3A_168 = arith.constant 16 : i32
      %mul3A_169 = arith.muli %scan3A_166, %mul3A_168 : i32
      %get3A_170 = arith.index_cast %mul3A_169 : i32 to index
      %get3A_171 = tpu.vector_load %arg14[%get3A_170] {strides = array<i32>} : memref<1920xf32, #tpu.memory_space<vmem>>, vector<16xf32>,
      %add3A_172 = arith.addf %get3A_171, %get3A_26 : vector<16xf32>
      %mul3A_173 = arith.constant 16 : i32
      %mul3A_174 = arith.muli %scan3A_166, %mul3A_173 : i32
      %add3A_175 = arith.constant 0 : i32
      %add3A_176 = arith.addi %add3A_175, %mul3A_174 : i32
      %swap3A = arith.index_cast %add3A_176 : i32 to index
      %swap3A_177 = tpu.vector_load %arg13[%swap3A] {strides = array<i32>} : memref<15360xf32, #tpu.memory_space<vmem>>, vector<16xf32>,
      tpu.vector_store %arg13[%swap3A], %add3A_172 {strides = array<i32>} : memref<15360xf32, #tpu.memory_space<vmem>>, vector<16xf32>,
      %add3A_178 = arith.addf %get3A_171, %get3A_28 : vector<16xf32>
      %mul3A_179 = arith.constant 16 : i32
      %mul3A_180 = arith.muli %scan3A_166, %mul3A_179 : i32
      %add3A_181 = arith.constant 1920 : i32
      %add3A_182 = arith.addi %add3A_181, %mul3A_180 : i32
      %swap3A_183 = arith.index_cast %add3A_182 : i32 to index
      %swap3A_184 = tpu.vector_load %arg13[%swap3A_183] {strides = array<i32>} : memref<15360xf32, #tpu.memory_space<vmem>>, vector<16xf32>,
      tpu.vector_store %arg13[%swap3A_183], %add3A_178 {strides = array<i32>} : memref<15360xf32, #tpu.memory_space<vmem>>, vector<16xf32>,
      %add3A_185 = arith.addf %get3A_171, %get3A_30 : vector<16xf32>
      %mul3A_186 = arith.constant 16 : i32
      %mul3A_187 = arith.muli %scan3A_166, %mul3A_186 : i32
      %add3A_188 = arith.constant 3840 : i32
      %add3A_189 = arith.addi %add3A_188, %mul3A_187 : i32
      %swap3A_190 = arith.index_cast %add3A_189 : i32 to index
      %swap3A_191 = tpu.vector_load %arg13[%swap3A_190] {strides = array<i32>} : memref<15360xf32, #tpu.memory_space<vmem>>, vector<16xf32>,
      tpu.vector_store %arg13[%swap3A_190], %add3A_185 {strides = array<i32>} : memref<15360xf32, #tpu.memory_space<vmem>>, vector<16xf32>,
      %add3A_192 = arith.addf %get3A_171, %get3A_32 : vector<16xf32>
      %mul3A_193 = arith.constant 16 : i32
      %mul3A_194 = arith.muli %scan3A_166, %mul3A_193 : i32
      %add3A_195 = arith.constant 5760 : i32
      %add3A_196 = arith.addi %add3A_195, %mul3A_194 : i32
      %swap3A_197 = arith.index_cast %add3A_196 : i32 to index
      %swap3A_198 = tpu.vector_load %arg13[%swap3A_197] {strides = array<i32>} : memref<15360xf32, #tpu.memory_space<vmem>>, vector<16xf32>,
      tpu.vector_store %arg13[%swap3A_197], %add3A_192 {strides = array<i32>} : memref<15360xf32, #tpu.memory_space<vmem>>, vector<16xf32>,
      %add3A_199 = arith.addf %get3A_171, %get3A_34 : vector<16xf32>
      %mul3A_200 = arith.constant 16 : i32
      %mul3A_201 = arith.muli %scan3A_166, %mul3A_200 : i32
      %add3A_202 = arith.constant 7680 : i32
      %add3A_203 = arith.addi %add3A_202, %mul3A_201 : i32
      %swap3A_204 = arith.index_cast %add3A_203 : i32 to index
      %swap3A_205 = tpu.vector_load %arg13[%swap3A_204] {strides = array<i32>} : memref<15360xf32, #tpu.memory_space<vmem>>, vector<16xf32>,
      tpu.vector_store %arg13[%swap3A_204], %add3A_199 {strides = array<i32>} : memref<15360xf32, #tpu.memory_space<vmem>>, vector<16xf32>,
      %add3A_206 = arith.addf %get3A_171, %get3A_36 : vector<16xf32>
      %mul3A_207 = arith.constant 16 : i32
      %mul3A_208 = arith.muli %scan3A_166, %mul3A_207 : i32
      %add3A_209 = arith.constant 9600 : i32
      %add3A_210 = arith.addi %add3A_209, %mul3A_208 : i32
      %swap3A_211 = arith.index_cast %add3A_210 : i32 to index
      %swap3A_212 = tpu.vector_load %arg13[%swap3A_211] {strides = array<i32>} : memref<15360xf32, #tpu.memory_space<vmem>>, vector<16xf32>,
      tpu.vector_store %arg13[%swap3A_211], %add3A_206 {strides = array<i32>} : memref<15360xf32, #tpu.memory_space<vmem>>, vector<16xf32>,
      %add3A_213 = arith.addf %get3A_171, %get3A_38 : vector<16xf32>
      %mul3A_214 = arith.constant 16 : i32
      %mul3A_215 = arith.muli %scan3A_166, %mul3A_214 : i32
      %add3A_216 = arith.constant 11520 : i32
      %add3A_217 = arith.addi %add3A_216, %mul3A_215 : i32
      %swap3A_218 = arith.index_cast %add3A_217 : i32 to index
      %swap3A_219 = tpu.vector_load %arg13[%swap3A_218] {strides = array<i32>} : memref<15360xf32, #tpu.memory_space<vmem>>, vector<16xf32>,
      tpu.vector_store %arg13[%swap3A_218], %add3A_213 {strides = array<i32>} : memref<15360xf32, #tpu.memory_space<vmem>>, vector<16xf32>,
      %add3A_220 = arith.addf %get3A_171, %get3A_40 : vector<16xf32>
      %mul3A_221 = arith.constant 16 : i32
      %mul3A_222 = arith.muli %scan3A_166, %mul3A_221 : i32
      %add3A_223 = arith.constant 13440 : i32
      %add3A_224 = arith.addi %add3A_223, %mul3A_222 : i32
      %swap3A_225 = arith.index_cast %add3A_224 : i32 to index
      %swap3A_226 = tpu.vector_load %arg13[%swap3A_225] {strides = array<i32>} : memref<15360xf32, #tpu.memory_space<vmem>>, vector<16xf32>,
      tpu.vector_store %arg13[%swap3A_225], %add3A_220 {strides = array<i32>} : memref<15360xf32, #tpu.memory_space<vmem>>, vector<16xf32>,
      %scan3A_227 = arith.constant 0 : i32
      scf.yield %scan3A_227 : i32
    }
    %scan3A_46 = arith.constant 120 : i32
    %barrier3A = arith.constant 0 : index
    tpu.barrier barrier_id(%barrier3A)
    "tpu.region"() ({
      %run_scoped3A = tpu.sem_alloc : memref<!tpu.dma_semaphore, #tpu.memory_space<semaphore_mem>>
      tpu.enqueue_dma source(%arg20 : memref<4096xf32, #tpu.memory_space<vmem_shared>>) target(%arg19 : memref<4096xf32, #tpu.memory_space<vmem>>) target_semaphore(%run_scoped3A : memref<!tpu.dma_semaphore, #tpu.memory_space<semaphore_mem>>)
      tpu.wait_dma2 semaphore(%run_scoped3A : memref<!tpu.dma_semaphore, #tpu.memory_space<semaphore_mem>>) src(%arg20 : memref<4096xf32, #tpu.memory_space<vmem_shared>>) dst(%arg19 : memref<4096xf32, #tpu.memory_space<vmem>>)
      tpu.yield
    }) : () -> ()
    %scan3A_47 = arith.constant 0 : i32
    %scan3A_48 = arith.constant 0 : i32
    %scan3A_49 = arith.constant 64 : i32
    %scan3A_50 = arith.addi %scan3A_48, %scan3A_49 : i32
    %scan3A_51 = arith.constant 1 : i32
    %scan3A_52 = scf.for %scan3A_166 = %scan3A_48 to %scan3A_50 step %scan3A_51 iter_args(%scan3A_167 = %scan3A_47) -> (i32)  : i32 {
      %mul3A_168 = arith.constant 16 : i32
      %mul3A_169 = arith.muli %scan3A_166, %mul3A_168 : i32
      %mul3A_170 = arith.constant 16 : i32
      %mul3A_171 = arith.muli %scan3A_166, %mul3A_170 : i32
      %add3A_172 = arith.constant 0 : i32
      %add3A_173 = arith.addi %add3A_172, %mul3A_171 : i32
      %get3A_174 = arith.index_cast %add3A_173 : i32 to index
      %get3A_175 = tpu.vector_load %arg19[%get3A_174] {strides = array<i32>} : memref<4096xf32, #tpu.memory_space<vmem>>, vector<16xf32>,
      %mul3A_176 = arith.constant 16 : i32
      %mul3A_177 = arith.muli %scan3A_166, %mul3A_176 : i32
      %add3A_178 = arith.constant 1024 : i32
      %add3A_179 = arith.addi %add3A_178, %mul3A_177 : i32
      %get3A_180 = arith.index_cast %add3A_179 : i32 to index
      %get3A_181 = tpu.vector_load %arg19[%get3A_180] {strides = array<i32>} : memref<4096xf32, #tpu.memory_space<vmem>>, vector<16xf32>,
      %mul3A_182 = arith.constant 16 : i32
      %mul3A_183 = arith.muli %scan3A_166, %mul3A_182 : i32
      %add3A_184 = arith.constant 2048 : i32
      %add3A_185 = arith.addi %add3A_184, %mul3A_183 : i32
      %get3A_186 = arith.index_cast %add3A_185 : i32 to index
      %get3A_187 = tpu.vector_load %arg19[%get3A_186] {strides = array<i32>} : memref<4096xf32, #tpu.memory_space<vmem>>, vector<16xf32>,
      %mul3A_188 = arith.constant 16 : i32
      %mul3A_189 = arith.muli %scan3A_166, %mul3A_188 : i32
      %add3A_190 = arith.constant 3072 : i32
      %add3A_191 = arith.addi %add3A_190, %mul3A_189 : i32
      %get3A_192 = arith.index_cast %add3A_191 : i32 to index
      %get3A_193 = tpu.vector_load %arg19[%get3A_192] {strides = array<i32>} : memref<4096xf32, #tpu.memory_space<vmem>>, vector<16xf32>,
      %jit3A = arith.constant 8 : i32
      %eq3A_194 = arith.constant 0 : i32
      %eq3A_195 = arith.cmpi eq, %jit3A, %eq3A_194 : i32
      %jit3A_196 = arith.constant 1 : i32
      %select_n3A = arith.select %eq3A_195, %jit3A_196, %jit3A : i32
      %rem3A = arith.remsi %scan3A_166, %select_n3A : i32
      %ne3A = arith.constant 0 : i32
      %ne3A_197 = arith.cmpi ne, %rem3A, %ne3A : i32
      %lt3A_198 = arith.constant 0 : i32
      %lt3A_199 = arith.cmpi slt, %rem3A, %lt3A_198 : i32
      %lt3A_200 = arith.constant 0 : i32
      %lt3A_201 = arith.cmpi slt, %select_n3A, %lt3A_200 : i32
      %ne3A_202 = arith.xori %lt3A_199, %lt3A_201 : i1
      %and3A = arith.andi %ne3A_202, %ne3A_197 : i1
      %add3A_203 = arith.addi %rem3A, %select_n3A : i32
      %select_n3A_204 = arith.select %and3A, %add3A_203, %rem3A : i32
      %lt3A_205 = arith.constant 4 : i32
      %lt3A_206 = arith.cmpi slt, %select_n3A_204, %lt3A_205 : i32
      %select_n3A_207 = arith.select %lt3A_206, %get3A_187, %get3A_193 : vector<16xf32>
      %select_n3A_208 = arith.select %lt3A_206, %get3A_193, %get3A_187 : vector<16xf32>
      %get3A_209 = arith.index_cast %mul3A_169 : i32 to index
      %get3A_210 = tpu.vector_load %arg17[%get3A_209] {strides = array<i32>} : memref<1024xi32, #tpu.memory_space<vmem>>, vector<16xi32>,
      %mul3A_211 = arith.constant 16 : i32
      %mul3A_212 = vector.broadcast %mul3A_211 : i32 to vector<16xi32>
      %mul3A_213 = arith.muli %get3A_210, %mul3A_212 : vector<16xi32>
      %gather3A = tpu.vector_load_idx %arg15[%mul3A_213] : memref<128xf32, #tpu.memory_space<vmem>>[vector<16xi32>], vector<16xf32>,
      %add3A_214 = arith.addf %get3A_175, %gather3A : vector<16xf32>
      %sub3A = arith.subf %select_n3A_207, %get3A_175 : vector<16xf32>
      %get3A_215 = arith.index_cast %mul3A_169 : i32 to index
      %get3A_216 = tpu.vector_load %arg18[%get3A_215] {strides = array<i32>} : memref<1024xf32, #tpu.memory_space<vmem>>, vector<16xf32>,
      %mul3A_217 = arith.mulf %get3A_216, %select_n3A_208 : vector<16xf32>
      %add3A_218 = arith.addf %sub3A, %mul3A_217 : vector<16xf32>
      %mul3A_219 = arith.mulf %get3A_181, %add3A_218 : vector<16xf32>
      %add3A_220 = arith.addf %add3A_214, %mul3A_219 : vector<16xf32>
      %get3A_221 = arith.index_cast %mul3A_169 : i32 to index
      %get3A_222 = tpu.vector_load %arg16[%get3A_221] {strides = array<i32>} : memref<1024xi32, #tpu.memory_space<vmem>>, vector<16xi32>,
      %ge3A = vector.broadcast %mul3A_2 : i32 to vector<16xi32>
      %ge3A_223 = arith.cmpi sge, %get3A_222, %ge3A : vector<16xi32>
      %add3A_224 = arith.constant 1920 : i32
      %add3A_225 = arith.addi %mul3A_2, %add3A_224 : i32
      %lt3A_226 = vector.broadcast %add3A_225 : i32 to vector<16xi32>
      %lt3A_227 = arith.cmpi slt, %get3A_222, %lt3A_226 : vector<16xi32>
      %and3A_228 = arith.andi %ge3A_223, %lt3A_227 : vector<16xi1>
      %mul3A_229 = arith.constant 1920 : i32
      %mul3A_230 = vector.broadcast %mul3A_229 : i32 to vector<16xi32>
      %mul3A_231 = arith.muli %get3A_210, %mul3A_230 : vector<16xi32>
      %sub3A_232 = vector.broadcast %mul3A_2 : i32 to vector<16xi32>
      %sub3A_233 = arith.subi %get3A_222, %sub3A_232 : vector<16xi32>
      %add3A_234 = arith.addi %mul3A_231, %sub3A_233 : vector<16xi32>
      tpu.vector_store_idx %arg13[%add3A_234], %add3A_220 masked %and3A_228 : memref<15360xf32, #tpu.memory_space<vmem>>[vector<16xi32>], vector<16xf32>, vector<16xi1>
      %scan3A_235 = arith.constant 0 : i32
      scf.yield %scan3A_235 : i32
    }
    %scan3A_53 = arith.constant 64 : i32
    %add3A_54 = arith.constant 0 : i32
    %add3A_55 = arith.addi %add3A_54, %mul3A_2 : i32
    %dma_start3A_56 = arith.constant 0 : i32
    %dma_start3A_57 = tpu.memref_slice %arg13[%dma_start3A_56] : memref<15360xf32, #tpu.memory_space<vmem>> -> memref<1920xf32, #tpu.memory_space<vmem>>
    %dma_start3A_58 = tpu.memref_slice %arg10[%add3A_55] : memref<491520xf32, #tpu.memory_space<hbm>> -> memref<1920xf32, #tpu.memory_space<hbm>>
    %dma_start3A_59 = tpu.memref_slice %arg10[%add3A_55] : memref<491520xf32, #tpu.memory_space<hbm>> -> memref<1920xf32, #tpu.memory_space<hbm>>
    %dma_start3A_60 = arith.constant 0 : i32
    %dma_start3A_61 = tpu.memref_slice %arg13[%dma_start3A_60] : memref<15360xf32, #tpu.memory_space<vmem>> -> memref<1920xf32, #tpu.memory_space<vmem>>
    tpu.enqueue_dma source(%dma_start3A_61 : memref<1920xf32, #tpu.memory_space<vmem>>) target(%dma_start3A_59 : memref<1920xf32, #tpu.memory_space<hbm>>) target_semaphore(%arg21 : memref<!tpu.dma_semaphore, #tpu.memory_space<semaphore_mem>>)
    %add3A_62 = arith.constant 61440 : i32
    %add3A_63 = arith.addi %add3A_62, %mul3A_2 : i32
    %dma_start3A_64 = arith.constant 1920 : i32
    %dma_start3A_65 = tpu.memref_slice %arg13[%dma_start3A_64] : memref<15360xf32, #tpu.memory_space<vmem>> -> memref<1920xf32, #tpu.memory_space<vmem>>
    %dma_start3A_66 = tpu.memref_slice %arg10[%add3A_63] : memref<491520xf32, #tpu.memory_space<hbm>> -> memref<1920xf32, #tpu.memory_space<hbm>>
    %dma_start3A_67 = tpu.memref_slice %arg10[%add3A_63] : memref<491520xf32, #tpu.memory_space<hbm>> -> memref<1920xf32, #tpu.memory_space<hbm>>
    %dma_start3A_68 = arith.constant 1920 : i32
    %dma_start3A_69 = tpu.memref_slice %arg13[%dma_start3A_68] : memref<15360xf32, #tpu.memory_space<vmem>> -> memref<1920xf32, #tpu.memory_space<vmem>>
    tpu.enqueue_dma source(%dma_start3A_69 : memref<1920xf32, #tpu.memory_space<vmem>>) target(%dma_start3A_67 : memref<1920xf32, #tpu.memory_space<hbm>>) target_semaphore(%arg21 : memref<!tpu.dma_semaphore, #tpu.memory_space<semaphore_mem>>)
    %add3A_70 = arith.constant 122880 : i32
    %add3A_71 = arith.addi %add3A_70, %mul3A_2 : i32
    %dma_start3A_72 = arith.constant 3840 : i32
    %dma_start3A_73 = tpu.memref_slice %arg13[%dma_start3A_72] : memref<15360xf32, #tpu.memory_space<vmem>> -> memref<1920xf32, #tpu.memory_space<vmem>>
    %dma_start3A_74 = tpu.memref_slice %arg10[%add3A_71] : memref<491520xf32, #tpu.memory_space<hbm>> -> memref<1920xf32, #tpu.memory_space<hbm>>
    %dma_start3A_75 = tpu.memref_slice %arg10[%add3A_71] : memref<491520xf32, #tpu.memory_space<hbm>> -> memref<1920xf32, #tpu.memory_space<hbm>>
    %dma_start3A_76 = arith.constant 3840 : i32
    %dma_start3A_77 = tpu.memref_slice %arg13[%dma_start3A_76] : memref<15360xf32, #tpu.memory_space<vmem>> -> memref<1920xf32, #tpu.memory_space<vmem>>
    tpu.enqueue_dma source(%dma_start3A_77 : memref<1920xf32, #tpu.memory_space<vmem>>) target(%dma_start3A_75 : memref<1920xf32, #tpu.memory_space<hbm>>) target_semaphore(%arg21 : memref<!tpu.dma_semaphore, #tpu.memory_space<semaphore_mem>>)
    %add3A_78 = arith.constant 184320 : i32
    %add3A_79 = arith.addi %add3A_78, %mul3A_2 : i32
    %dma_start3A_80 = arith.constant 5760 : i32
    %dma_start3A_81 = tpu.memref_slice %arg13[%dma_start3A_80] : memref<15360xf32, #tpu.memory_space<vmem>> -> memref<1920xf32, #tpu.memory_space<vmem>>
    %dma_start3A_82 = tpu.memref_slice %arg10[%add3A_79] : memref<491520xf32, #tpu.memory_space<hbm>> -> memref<1920xf32, #tpu.memory_space<hbm>>
    %dma_start3A_83 = tpu.memref_slice %arg10[%add3A_79] : memref<491520xf32, #tpu.memory_space<hbm>> -> memref<1920xf32, #tpu.memory_space<hbm>>
    %dma_start3A_84 = arith.constant 5760 : i32
    %dma_start3A_85 = tpu.memref_slice %arg13[%dma_start3A_84] : memref<15360xf32, #tpu.memory_space<vmem>> -> memref<1920xf32, #tpu.memory_space<vmem>>
    tpu.enqueue_dma source(%dma_start3A_85 : memref<1920xf32, #tpu.memory_space<vmem>>) target(%dma_start3A_83 : memref<1920xf32, #tpu.memory_space<hbm>>) target_semaphore(%arg21 : memref<!tpu.dma_semaphore, #tpu.memory_space<semaphore_mem>>)
    %add3A_86 = arith.constant 245760 : i32
    %add3A_87 = arith.addi %add3A_86, %mul3A_2 : i32
    %dma_start3A_88 = arith.constant 7680 : i32
    %dma_start3A_89 = tpu.memref_slice %arg13[%dma_start3A_88] : memref<15360xf32, #tpu.memory_space<vmem>> -> memref<1920xf32, #tpu.memory_space<vmem>>
    %dma_start3A_90 = tpu.memref_slice %arg10[%add3A_87] : memref<491520xf32, #tpu.memory_space<hbm>> -> memref<1920xf32, #tpu.memory_space<hbm>>
    %dma_start3A_91 = tpu.memref_slice %arg10[%add3A_87] : memref<491520xf32, #tpu.memory_space<hbm>> -> memref<1920xf32, #tpu.memory_space<hbm>>
    %dma_start3A_92 = arith.constant 7680 : i32
    %dma_start3A_93 = tpu.memref_slice %arg13[%dma_start3A_92] : memref<15360xf32, #tpu.memory_space<vmem>> -> memref<1920xf32, #tpu.memory_space<vmem>>
    tpu.enqueue_dma source(%dma_start3A_93 : memref<1920xf32, #tpu.memory_space<vmem>>) target(%dma_start3A_91 : memref<1920xf32, #tpu.memory_space<hbm>>) target_semaphore(%arg21 : memref<!tpu.dma_semaphore, #tpu.memory_space<semaphore_mem>>)
    %add3A_94 = arith.constant 307200 : i32
    %add3A_95 = arith.addi %add3A_94, %mul3A_2 : i32
    %dma_start3A_96 = arith.constant 9600 : i32
    %dma_start3A_97 = tpu.memref_slice %arg13[%dma_start3A_96] : memref<15360xf32, #tpu.memory_space<vmem>> -> memref<1920xf32, #tpu.memory_space<vmem>>
    %dma_start3A_98 = tpu.memref_slice %arg10[%add3A_95] : memref<491520xf32, #tpu.memory_space<hbm>> -> memref<1920xf32, #tpu.memory_space<hbm>>
    %dma_start3A_99 = tpu.memref_slice %arg10[%add3A_95] : memref<491520xf32, #tpu.memory_space<hbm>> -> memref<1920xf32, #tpu.memory_space<hbm>>
    %dma_start3A_100 = arith.constant 9600 : i32
    %dma_start3A_101 = tpu.memref_slice %arg13[%dma_start3A_100] : memref<15360xf32, #tpu.memory_space<vmem>> -> memref<1920xf32, #tpu.memory_space<vmem>>
    tpu.enqueue_dma source(%dma_start3A_101 : memref<1920xf32, #tpu.memory_space<vmem>>) target(%dma_start3A_99 : memref<1920xf32, #tpu.memory_space<hbm>>) target_semaphore(%arg21 : memref<!tpu.dma_semaphore, #tpu.memory_space<semaphore_mem>>)
    %add3A_102 = arith.constant 368640 : i32
    %add3A_103 = arith.addi %add3A_102, %mul3A_2 : i32
    %dma_start3A_104 = arith.constant 11520 : i32
    %dma_start3A_105 = tpu.memref_slice %arg13[%dma_start3A_104] : memref<15360xf32, #tpu.memory_space<vmem>> -> memref<1920xf32, #tpu.memory_space<vmem>>
    %dma_start3A_106 = tpu.memref_slice %arg10[%add3A_103] : memref<491520xf32, #tpu.memory_space<hbm>> -> memref<1920xf32, #tpu.memory_space<hbm>>
    %dma_start3A_107 = tpu.memref_slice %arg10[%add3A_103] : memref<491520xf32, #tpu.memory_space<hbm>> -> memref<1920xf32, #tpu.memory_space<hbm>>
    %dma_start3A_108 = arith.constant 11520 : i32
    %dma_start3A_109 = tpu.memref_slice %arg13[%dma_start3A_108] : memref<15360xf32, #tpu.memory_space<vmem>> -> memref<1920xf32, #tpu.memory_space<vmem>>
    tpu.enqueue_dma source(%dma_start3A_109 : memref<1920xf32, #tpu.memory_space<vmem>>) target(%dma_start3A_107 : memref<1920xf32, #tpu.memory_space<hbm>>) target_semaphore(%arg21 : memref<!tpu.dma_semaphore, #tpu.memory_space<semaphore_mem>>)
    %add3A_110 = arith.constant 430080 : i32
    %add3A_111 = arith.addi %add3A_110, %mul3A_2 : i32
    %dma_start3A_112 = arith.constant 13440 : i32
    %dma_start3A_113 = tpu.memref_slice %arg13[%dma_start3A_112] : memref<15360xf32, #tpu.memory_space<vmem>> -> memref<1920xf32, #tpu.memory_space<vmem>>
    %dma_start3A_114 = tpu.memref_slice %arg10[%add3A_111] : memref<491520xf32, #tpu.memory_space<hbm>> -> memref<1920xf32, #tpu.memory_space<hbm>>
    %dma_start3A_115 = tpu.memref_slice %arg10[%add3A_111] : memref<491520xf32, #tpu.memory_space<hbm>> -> memref<1920xf32, #tpu.memory_space<hbm>>
    %dma_start3A_116 = arith.constant 13440 : i32
    %dma_start3A_117 = tpu.memref_slice %arg13[%dma_start3A_116] : memref<15360xf32, #tpu.memory_space<vmem>> -> memref<1920xf32, #tpu.memory_space<vmem>>
    tpu.enqueue_dma source(%dma_start3A_117 : memref<1920xf32, #tpu.memory_space<vmem>>) target(%dma_start3A_115 : memref<1920xf32, #tpu.memory_space<hbm>>) target_semaphore(%arg21 : memref<!tpu.dma_semaphore, #tpu.memory_space<semaphore_mem>>)
    %dma_wait3A_118 = arith.constant 0 : i32
    %dma_wait3A_119 = tpu.memref_slice %arg13[%dma_wait3A_118] : memref<15360xf32, #tpu.memory_space<vmem>> -> memref<1920xf32, #tpu.memory_space<vmem>>
    %dma_wait3A_120 = tpu.memref_slice %arg10[%add3A_55] : memref<491520xf32, #tpu.memory_space<hbm>> -> memref<1920xf32, #tpu.memory_space<hbm>>
    %dma_wait3A_121 = tpu.memref_slice %arg10[%add3A_55] : memref<491520xf32, #tpu.memory_space<hbm>> -> memref<1920xf32, #tpu.memory_space<hbm>>
    %dma_wait3A_122 = arith.constant 0 : i32
    %dma_wait3A_123 = tpu.memref_slice %arg13[%dma_wait3A_122] : memref<15360xf32, #tpu.memory_space<vmem>> -> memref<1920xf32, #tpu.memory_space<vmem>>
    tpu.wait_dma2 semaphore(%arg21 : memref<!tpu.dma_semaphore, #tpu.memory_space<semaphore_mem>>) src(%dma_wait3A_123 : memref<1920xf32, #tpu.memory_space<vmem>>) dst(%dma_wait3A_121 : memref<1920xf32, #tpu.memory_space<hbm>>)
    %dma_wait3A_124 = arith.constant 1920 : i32
    %dma_wait3A_125 = tpu.memref_slice %arg13[%dma_wait3A_124] : memref<15360xf32, #tpu.memory_space<vmem>> -> memref<1920xf32, #tpu.memory_space<vmem>>
    %dma_wait3A_126 = tpu.memref_slice %arg10[%add3A_63] : memref<491520xf32, #tpu.memory_space<hbm>> -> memref<1920xf32, #tpu.memory_space<hbm>>
    %dma_wait3A_127 = tpu.memref_slice %arg10[%add3A_63] : memref<491520xf32, #tpu.memory_space<hbm>> -> memref<1920xf32, #tpu.memory_space<hbm>>
    %dma_wait3A_128 = arith.constant 1920 : i32
    %dma_wait3A_129 = tpu.memref_slice %arg13[%dma_wait3A_128] : memref<15360xf32, #tpu.memory_space<vmem>> -> memref<1920xf32, #tpu.memory_space<vmem>>
    tpu.wait_dma2 semaphore(%arg21 : memref<!tpu.dma_semaphore, #tpu.memory_space<semaphore_mem>>) src(%dma_wait3A_129 : memref<1920xf32, #tpu.memory_space<vmem>>) dst(%dma_wait3A_127 : memref<1920xf32, #tpu.memory_space<hbm>>)
    %dma_wait3A_130 = arith.constant 3840 : i32
    %dma_wait3A_131 = tpu.memref_slice %arg13[%dma_wait3A_130] : memref<15360xf32, #tpu.memory_space<vmem>> -> memref<1920xf32, #tpu.memory_space<vmem>>
    %dma_wait3A_132 = tpu.memref_slice %arg10[%add3A_71] : memref<491520xf32, #tpu.memory_space<hbm>> -> memref<1920xf32, #tpu.memory_space<hbm>>
    %dma_wait3A_133 = tpu.memref_slice %arg10[%add3A_71] : memref<491520xf32, #tpu.memory_space<hbm>> -> memref<1920xf32, #tpu.memory_space<hbm>>
    %dma_wait3A_134 = arith.constant 3840 : i32
    %dma_wait3A_135 = tpu.memref_slice %arg13[%dma_wait3A_134] : memref<15360xf32, #tpu.memory_space<vmem>> -> memref<1920xf32, #tpu.memory_space<vmem>>
    tpu.wait_dma2 semaphore(%arg21 : memref<!tpu.dma_semaphore, #tpu.memory_space<semaphore_mem>>) src(%dma_wait3A_135 : memref<1920xf32, #tpu.memory_space<vmem>>) dst(%dma_wait3A_133 : memref<1920xf32, #tpu.memory_space<hbm>>)
    %dma_wait3A_136 = arith.constant 5760 : i32
    %dma_wait3A_137 = tpu.memref_slice %arg13[%dma_wait3A_136] : memref<15360xf32, #tpu.memory_space<vmem>> -> memref<1920xf32, #tpu.memory_space<vmem>>
    %dma_wait3A_138 = tpu.memref_slice %arg10[%add3A_79] : memref<491520xf32, #tpu.memory_space<hbm>> -> memref<1920xf32, #tpu.memory_space<hbm>>
    %dma_wait3A_139 = tpu.memref_slice %arg10[%add3A_79] : memref<491520xf32, #tpu.memory_space<hbm>> -> memref<1920xf32, #tpu.memory_space<hbm>>
    %dma_wait3A_140 = arith.constant 5760 : i32
    %dma_wait3A_141 = tpu.memref_slice %arg13[%dma_wait3A_140] : memref<15360xf32, #tpu.memory_space<vmem>> -> memref<1920xf32, #tpu.memory_space<vmem>>
    tpu.wait_dma2 semaphore(%arg21 : memref<!tpu.dma_semaphore, #tpu.memory_space<semaphore_mem>>) src(%dma_wait3A_141 : memref<1920xf32, #tpu.memory_space<vmem>>) dst(%dma_wait3A_139 : memref<1920xf32, #tpu.memory_space<hbm>>)
    %dma_wait3A_142 = arith.constant 7680 : i32
    %dma_wait3A_143 = tpu.memref_slice %arg13[%dma_wait3A_142] : memref<15360xf32, #tpu.memory_space<vmem>> -> memref<1920xf32, #tpu.memory_space<vmem>>
    %dma_wait3A_144 = tpu.memref_slice %arg10[%add3A_87] : memref<491520xf32, #tpu.memory_space<hbm>> -> memref<1920xf32, #tpu.memory_space<hbm>>
    %dma_wait3A_145 = tpu.memref_slice %arg10[%add3A_87] : memref<491520xf32, #tpu.memory_space<hbm>> -> memref<1920xf32, #tpu.memory_space<hbm>>
    %dma_wait3A_146 = arith.constant 7680 : i32
    %dma_wait3A_147 = tpu.memref_slice %arg13[%dma_wait3A_146] : memref<15360xf32, #tpu.memory_space<vmem>> -> memref<1920xf32, #tpu.memory_space<vmem>>
    tpu.wait_dma2 semaphore(%arg21 : memref<!tpu.dma_semaphore, #tpu.memory_space<semaphore_mem>>) src(%dma_wait3A_147 : memref<1920xf32, #tpu.memory_space<vmem>>) dst(%dma_wait3A_145 : memref<1920xf32, #tpu.memory_space<hbm>>)
    %dma_wait3A_148 = arith.constant 9600 : i32
    %dma_wait3A_149 = tpu.memref_slice %arg13[%dma_wait3A_148] : memref<15360xf32, #tpu.memory_space<vmem>> -> memref<1920xf32, #tpu.memory_space<vmem>>
    %dma_wait3A_150 = tpu.memref_slice %arg10[%add3A_95] : memref<491520xf32, #tpu.memory_space<hbm>> -> memref<1920xf32, #tpu.memory_space<hbm>>
    %dma_wait3A_151 = tpu.memref_slice %arg10[%add3A_95] : memref<491520xf32, #tpu.memory_space<hbm>> -> memref<1920xf32, #tpu.memory_space<hbm>>
    %dma_wait3A_152 = arith.constant 9600 : i32
    %dma_wait3A_153 = tpu.memref_slice %arg13[%dma_wait3A_152] : memref<15360xf32, #tpu.memory_space<vmem>> -> memref<1920xf32, #tpu.memory_space<vmem>>
    tpu.wait_dma2 semaphore(%arg21 : memref<!tpu.dma_semaphore, #tpu.memory_space<semaphore_mem>>) src(%dma_wait3A_153 : memref<1920xf32, #tpu.memory_space<vmem>>) dst(%dma_wait3A_151 : memref<1920xf32, #tpu.memory_space<hbm>>)
    %dma_wait3A_154 = arith.constant 11520 : i32
    %dma_wait3A_155 = tpu.memref_slice %arg13[%dma_wait3A_154] : memref<15360xf32, #tpu.memory_space<vmem>> -> memref<1920xf32, #tpu.memory_space<vmem>>
    %dma_wait3A_156 = tpu.memref_slice %arg10[%add3A_103] : memref<491520xf32, #tpu.memory_space<hbm>> -> memref<1920xf32, #tpu.memory_space<hbm>>
    %dma_wait3A_157 = tpu.memref_slice %arg10[%add3A_103] : memref<491520xf32, #tpu.memory_space<hbm>> -> memref<1920xf32, #tpu.memory_space<hbm>>
    %dma_wait3A_158 = arith.constant 11520 : i32
    %dma_wait3A_159 = tpu.memref_slice %arg13[%dma_wait3A_158] : memref<15360xf32, #tpu.memory_space<vmem>> -> memref<1920xf32, #tpu.memory_space<vmem>>
    tpu.wait_dma2 semaphore(%arg21 : memref<!tpu.dma_semaphore, #tpu.memory_space<semaphore_mem>>) src(%dma_wait3A_159 : memref<1920xf32, #tpu.memory_space<vmem>>) dst(%dma_wait3A_157 : memref<1920xf32, #tpu.memory_space<hbm>>)
    %dma_wait3A_160 = arith.constant 13440 : i32
    %dma_wait3A_161 = tpu.memref_slice %arg13[%dma_wait3A_160] : memref<15360xf32, #tpu.memory_space<vmem>> -> memref<1920xf32, #tpu.memory_space<vmem>>
    %dma_wait3A_162 = tpu.memref_slice %arg10[%add3A_111] : memref<491520xf32, #tpu.memory_space<hbm>> -> memref<1920xf32, #tpu.memory_space<hbm>>
    %dma_wait3A_163 = tpu.memref_slice %arg10[%add3A_111] : memref<491520xf32, #tpu.memory_space<hbm>> -> memref<1920xf32, #tpu.memory_space<hbm>>
    %dma_wait3A_164 = arith.constant 13440 : i32
    %dma_wait3A_165 = tpu.memref_slice %arg13[%dma_wait3A_164] : memref<15360xf32, #tpu.memory_space<vmem>> -> memref<1920xf32, #tpu.memory_space<vmem>>
    tpu.wait_dma2 semaphore(%arg21 : memref<!tpu.dma_semaphore, #tpu.memory_space<semaphore_mem>>) src(%dma_wait3A_165 : memref<1920xf32, #tpu.memory_space<vmem>>) dst(%dma_wait3A_163 : memref<1920xf32, #tpu.memory_space<hbm>>)
    return
  }
}

module attributes {stable_mosaic.version = 14 : i64} {
  func.func @_dense_body(%arg0: i32, %arg1: memref<4096x64xf32, #tpu.memory_space<vmem>>, %arg2: memref<4096x64xf32, #tpu.memory_space<vmem>>, %arg3: memref<4096x64xf32, #tpu.memory_space<vmem>>, %arg4: memref<64x64xf32, #tpu.memory_space<vmem>>, %arg5: memref<1x64xf32, #tpu.memory_space<vmem>>, %arg6: memref<1x64xf32, #tpu.memory_space<vmem>>, %arg7: memref<64x1xf32, #tpu.memory_space<vmem>>, %arg8: memref<1x1xf32, #tpu.memory_space<vmem>>, %arg9: memref<1x64xf32, #tpu.memory_space<vmem>>, %arg10: memref<1x1xf32, #tpu.memory_space<vmem>>, %arg11: memref<8x64xf32, #tpu.memory_space<vmem>>, %arg12: memref<14695x64xf32, #tpu.memory_space<vmem>>, %arg13: memref<115x128xf32, #tpu.memory_space<vmem>>, %arg14: memref<1x8xi32, #tpu.memory_space<smem>>, %arg15: memref<8x64xi32, #tpu.memory_space<vmem>>, %arg16: memref<8x64xi32, #tpu.memory_space<vmem>>, %arg17: memref<64x32xf32, #tpu.memory_space<vmem>>, %arg18: memref<1x32xf32, #tpu.memory_space<vmem>>, %arg19: memref<32x64xf32, #tpu.memory_space<vmem>>, %arg20: memref<1x64xf32, #tpu.memory_space<vmem>>, %arg21: memref<4096xf32, #tpu.memory_space<vmem>>, %arg22: memref<4096xf32, #tpu.memory_space<vmem>>, %arg23: memref<4096xf32, #tpu.memory_space<vmem>>, %arg24: memref<8x16xf32, #tpu.memory_space<vmem>>, %arg25: memref<8x128xf32, #tpu.memory_space<vmem>>, %arg26: memref<8x64xf32, #tpu.memory_space<vmem>>, %arg27: memref<8x1xf32, #tpu.memory_space<vmem>>) attributes {dimension_semantics = [#tpu.dimension_semantics<arbitrary>], iteration_bounds = array<i64: 15>, scalar_prefetch = 0 : i64, scratch_operands = 2 : i64, tpu.core_type = #tpu.core_type<tc>, window_params = [{transform_indices = @transform_0, window_bounds = array<i64: 4096, 64>}, {transform_indices = @transform_1, window_bounds = array<i64: 4096, 64>}, {transform_indices = @transform_2, window_bounds = array<i64: 4096, 64>}, {pipeline_mode = #tpu.pipeline_mode<synchronous>, transform_indices = @transform_3, window_bounds = array<i64: 64, 64>}, {pipeline_mode = #tpu.pipeline_mode<synchronous>, transform_indices = @transform_4, window_bounds = array<i64: 1, 64>}, {pipeline_mode = #tpu.pipeline_mode<synchronous>, transform_indices = @transform_5, window_bounds = array<i64: 1, 64>}, {pipeline_mode = #tpu.pipeline_mode<synchronous>, transform_indices = @transform_6, window_bounds = array<i64: 64, 1>}, {pipeline_mode = #tpu.pipeline_mode<synchronous>, transform_indices = @transform_7, window_bounds = array<i64: 1, 1>}, {pipeline_mode = #tpu.pipeline_mode<synchronous>, transform_indices = @transform_8, window_bounds = array<i64: 1, 64>}, {pipeline_mode = #tpu.pipeline_mode<synchronous>, transform_indices = @transform_9, window_bounds = array<i64: 1, 1>}, {pipeline_mode = #tpu.pipeline_mode<synchronous>, transform_indices = @transform_10, window_bounds = array<i64: 8, 64>}, {pipeline_mode = #tpu.pipeline_mode<synchronous>, transform_indices = @transform_11, window_bounds = array<i64: 14695, 64>}, {pipeline_mode = #tpu.pipeline_mode<synchronous>, transform_indices = @transform_12, window_bounds = array<i64: 115, 128>}, {transform_indices = @transform_13, window_bounds = array<i64: 1, 8>}, {pipeline_mode = #tpu.pipeline_mode<synchronous>, transform_indices = @transform_14, window_bounds = array<i64: 8, 64>}, {pipeline_mode = #tpu.pipeline_mode<synchronous>, transform_indices = @transform_15, window_bounds = array<i64: 8, 64>}, {pipeline_mode = #tpu.pipeline_mode<synchronous>, transform_indices = @transform_16, window_bounds = array<i64: 64, 32>}, {pipeline_mode = #tpu.pipeline_mode<synchronous>, transform_indices = @transform_17, window_bounds = array<i64: 1, 32>}, {pipeline_mode = #tpu.pipeline_mode<synchronous>, transform_indices = @transform_18, window_bounds = array<i64: 32, 64>}, {pipeline_mode = #tpu.pipeline_mode<synchronous>, transform_indices = @transform_19, window_bounds = array<i64: 1, 64>}, {transform_indices = @transform_20, window_bounds = array<i64: 4096>}, {transform_indices = @transform_21, window_bounds = array<i64: 4096>}, {transform_indices = @transform_22, window_bounds = array<i64: 4096>}, {pipeline_mode = #tpu.pipeline_mode<synchronous>, transform_indices = @transform_23, window_bounds = array<i64: 8, 16>}, {pipeline_mode = #tpu.pipeline_mode<synchronous>, transform_indices = @transform_24, window_bounds = array<i64: 8, 128>}]} {
    %eq3A = arith.constant 0 : i32
    %eq3A_0 = arith.cmpi eq, %arg0, %eq3A : i32
    %convert_element_type3A = arith.extui %eq3A_0 : i1 to i32
    %cond3A = arith.constant 0 : i32
    %cond3A_1 = arith.cmpi ne, %convert_element_type3A, %cond3A : i32
    scf.if %cond3A_1 {
      %scan3A = arith.constant 0 : i32
      %scan3A_78 = arith.constant 8 : i32
      %scan3A_79 = arith.addi %scan3A, %scan3A_78 : i32
      %scan3A_80 = arith.constant 1 : i32
      scf.for %scan3A_160 = %scan3A to %scan3A_79 step %scan3A_80  : i32 {
        %get3A_161 = arith.constant 0 : index
        %get3A_162 = arith.index_cast %scan3A_160 : i32 to index
        %get3A_163 = memref.load %arg14[%get3A_161, %get3A_162] : memref<1x8xi32, #tpu.memory_space<smem>>
        %get3A_164 = arith.index_cast %get3A_163 : i32 to index
        %get3A_165 = arith.constant 0 : index
        %get3A_166 = vector.load %arg12[%get3A_164, %get3A_165] : memref<14695x64xf32, #tpu.memory_space<vmem>>, vector<1x64xf32>
        %swap3A_167 = arith.index_cast %scan3A_160 : i32 to index
        %swap3A_168 = arith.constant 0 : index
        %swap3A_169 = vector.load %arg26[%swap3A_167, %swap3A_168] : memref<8x64xf32, #tpu.memory_space<vmem>>, vector<1x64xf32>
        tpu.vector_store %arg26[%swap3A_167, %swap3A_168], %get3A_166 {strides = array<i32>} : memref<8x64xf32, #tpu.memory_space<vmem>>, vector<1x64xf32>,
        %jit3A = arith.constant 128 : i32
        %div3A = arith.divsi %get3A_163, %jit3A : i32
        %sign3A = arith.constant 0 : i32
        %sign3A_170 = arith.cmpi sgt, %get3A_163, %sign3A : i32
        %sign3A_171 = arith.extui %sign3A_170 : i1 to i32
        %sign3A_172 = arith.constant 0 : i32
        %sign3A_173 = arith.cmpi slt, %get3A_163, %sign3A_172 : i32
        %sign3A_174 = arith.extui %sign3A_173 : i1 to i32
        %sign3A_175 = arith.subi %sign3A_171, %sign3A_174 : i32
        %sign3A_176 = arith.constant 0 : i32
        %sign3A_177 = arith.cmpi sgt, %jit3A, %sign3A_176 : i32
        %sign3A_178 = arith.extui %sign3A_177 : i1 to i32
        %sign3A_179 = arith.constant 0 : i32
        %sign3A_180 = arith.cmpi slt, %jit3A, %sign3A_179 : i32
        %sign3A_181 = arith.extui %sign3A_180 : i1 to i32
        %sign3A_182 = arith.subi %sign3A_178, %sign3A_181 : i32
        %ne3A = arith.cmpi ne, %sign3A_175, %sign3A_182 : i32
        %rem3A = arith.remsi %get3A_163, %jit3A : i32
        %ne3A_183 = arith.constant 0 : i32
        %ne3A_184 = arith.cmpi ne, %rem3A, %ne3A_183 : i32
        %and3A = arith.andi %ne3A, %ne3A_184 : i1
        %sub3A_185 = arith.constant 1 : i32
        %sub3A_186 = arith.subi %div3A, %sub3A_185 : i32
        %select_n3A = arith.select %and3A, %sub3A_186, %div3A : i32
        %get3A_187 = arith.index_cast %select_n3A : i32 to index
        %get3A_188 = arith.constant 0 : index
        %get3A_189 = vector.load %arg13[%get3A_187, %get3A_188] : memref<115x128xf32, #tpu.memory_space<vmem>>, vector<1x128xf32>
        %iota3A = tpu.iota {dimensions = array<i32: 1>} : vector<1x128xi32>
        %jit3A_190 = arith.constant 128 : i32
        %eq3A_191 = arith.constant 0 : i32
        %eq3A_192 = arith.cmpi eq, %jit3A_190, %eq3A_191 : i32
        %jit3A_193 = arith.constant 1 : i32
        %select_n3A_194 = arith.select %eq3A_192, %jit3A_193, %jit3A_190 : i32
        %rem3A_195 = arith.remsi %get3A_163, %select_n3A_194 : i32
        %ne3A_196 = arith.constant 0 : i32
        %ne3A_197 = arith.cmpi ne, %rem3A_195, %ne3A_196 : i32
        %lt3A = arith.constant 0 : i32
        %lt3A_198 = arith.cmpi slt, %rem3A_195, %lt3A : i32
        %lt3A_199 = arith.constant 0 : i32
        %lt3A_200 = arith.cmpi slt, %select_n3A_194, %lt3A_199 : i32
        %ne3A_201 = arith.xori %lt3A_198, %lt3A_200 : i1
        %and3A_202 = arith.andi %ne3A_201, %ne3A_197 : i1
        %add3A_203 = arith.addi %rem3A_195, %select_n3A_194 : i32
        %select_n3A_204 = arith.select %and3A_202, %add3A_203, %rem3A_195 : i32
        %eq3A_205 = vector.broadcast %select_n3A_204 : i32 to vector<1x128xi32>
        %eq3A_206 = arith.cmpi eq, %iota3A, %eq3A_205 : vector<1x128xi32>
        %jit3A_207 = arith.constant 0.000000e+00 : f32
        %broadcast_in_dim3A_208 = vector.broadcast %jit3A_207 : f32 to vector<1x128xf32>
        %select_n3A_209 = arith.select %eq3A_206, %get3A_189, %broadcast_in_dim3A_208 : vector<1x128xi1>, vector<1x128xf32>
        %reduce_sum3A_210 = arith.constant dense<0.000000e+00> : vector<1xf32>
        %reduce_sum3A_211 = vector.multi_reduction <add>, %select_n3A_209, %reduce_sum3A_210 [1] : vector<1x128xf32> to vector<1xf32>
        %broadcast_in_dim3A_212 = vector.shape_cast %reduce_sum3A_211 : vector<1xf32> to vector<1x1xf32>
        %swap3A_213 = arith.index_cast %scan3A_160 : i32 to index
        %swap3A_214 = arith.constant 0 : index
        %swap3A_215 = vector.load %arg27[%swap3A_213, %swap3A_214] : memref<8x1xf32, #tpu.memory_space<vmem>>, vector<1x1xf32>
        tpu.vector_store %arg27[%swap3A_213, %swap3A_214], %broadcast_in_dim3A_212 {strides = array<i32>} : memref<8x1xf32, #tpu.memory_space<vmem>>, vector<1x1xf32>,
      }
      %scan3A_81 = arith.constant 8 : i32
      %get3A_82 = arith.constant 0 : index
      %get3A_83 = arith.constant 0 : index
      %get3A_84 = vector.load %arg27[%get3A_82, %get3A_83] : memref<8x1xf32, #tpu.memory_space<vmem>>, vector<8x1xf32>
      %sub3A = arith.constant 1.000000e+00 : f32
      %sub3A_85 = vector.broadcast %sub3A : f32 to vector<8x1xf32>
      %sub3A_86 = arith.subf %sub3A_85, %get3A_84 : vector<8x1xf32>
      %get3A_87 = arith.constant 0 : index
      %get3A_88 = arith.constant 0 : index
      %get3A_89 = vector.load %arg11[%get3A_87, %get3A_88] : memref<8x64xf32, #tpu.memory_space<vmem>>, vector<8x64xf32>
      %mul3A_90 = vector.broadcast %sub3A_86 : vector<8x1xf32> to vector<8x64xf32>
      %mul3A_91 = arith.mulf %mul3A_90, %get3A_89 : vector<8x64xf32>
      %get3A_92 = arith.constant 0 : index
      %get3A_93 = arith.constant 0 : index
      %get3A_94 = vector.load %arg26[%get3A_92, %get3A_93] : memref<8x64xf32, #tpu.memory_space<vmem>>, vector<8x64xf32>
      %mul3A_95 = vector.broadcast %get3A_84 : vector<8x1xf32> to vector<8x64xf32>
      %mul3A_96 = arith.mulf %mul3A_95, %get3A_94 : vector<8x64xf32>
      %add3A_97 = arith.addf %mul3A_91, %mul3A_96 : vector<8x64xf32>
      %get3A_98 = arith.constant 0 : index
      %get3A_99 = arith.constant 0 : index
      %get3A_100 = vector.load %arg9[%get3A_98, %get3A_99] : memref<1x64xf32, #tpu.memory_space<vmem>>, vector<1x64xf32>
      %mul3A_101 = vector.broadcast %get3A_100 : vector<1x64xf32> to vector<8x64xf32>
      %mul3A_102 = arith.mulf %add3A_97, %mul3A_101 : vector<8x64xf32>
      %reduce_sum3A_103 = arith.constant dense<0.000000e+00> : vector<8xf32>
      %reduce_sum3A_104 = vector.multi_reduction <add>, %mul3A_102, %reduce_sum3A_103 [1] : vector<8x64xf32> to vector<8xf32>
      %broadcast_in_dim3A_105 = vector.shape_cast %reduce_sum3A_104 : vector<8xf32> to vector<8x1xf32>
      %get3A_106 = arith.constant 0 : index
      %get3A_107 = arith.constant 0 : index
      %get3A_108 = vector.load %arg10[%get3A_106, %get3A_107] : memref<1x1xf32, #tpu.memory_space<vmem>>, vector<1x1xf32>
      %get3A_109 = vector.extract %get3A_108[0, 0] : f32 from vector<1x1xf32>
      %add3A_110 = vector.broadcast %get3A_109 : f32 to vector<8x1xf32>
      %add3A_111 = arith.addf %broadcast_in_dim3A_105, %add3A_110 : vector<8x1xf32>
      %get3A_112 = arith.constant 0 : index
      %get3A_113 = arith.constant 0 : index
      %get3A_114 = vector.load %arg8[%get3A_112, %get3A_113] : memref<1x1xf32, #tpu.memory_space<vmem>>, vector<1x1xf32>
      %get3A_115 = vector.extract %get3A_114[0, 0] : f32 from vector<1x1xf32>
      %add3A_116 = vector.broadcast %get3A_115 : f32 to vector<8x1xf32>
      %add3A_117 = arith.addf %add3A_111, %add3A_116 : vector<8x1xf32>
      %broadcast_in_dim3A_118 = vector.shape_cast %add3A_117 : vector<8x1xf32> to vector<8x1xf32>
      %broadcast_in_dim3A_119 = vector.broadcast %broadcast_in_dim3A_118 : vector<8x1xf32> to vector<8x16xf32>
      %swap3A_120 = arith.constant 0 : index
      %swap3A_121 = arith.constant 0 : index
      %swap3A_122 = vector.load %arg24[%swap3A_120, %swap3A_121] : memref<8x16xf32, #tpu.memory_space<vmem>>, vector<8x16xf32>
      tpu.vector_store %arg24[%swap3A_120, %swap3A_121], %broadcast_in_dim3A_119 {strides = array<i32>} : memref<8x16xf32, #tpu.memory_space<vmem>>, vector<8x16xf32>,
      %get3A_123 = arith.constant 0 : index
      %get3A_124 = arith.constant 0 : index
      %get3A_125 = vector.load %arg15[%get3A_123, %get3A_124] : memref<8x64xi32, #tpu.memory_space<vmem>>, vector<8x64xi32>
      %broadcast_in_dim3A_126 = vector.shape_cast %get3A_125 : vector<8x64xi32> to vector<8x64x1xi32>
      %get3A_127 = arith.constant 0 : index
      %get3A_128 = arith.constant 0 : index
      %get3A_129 = vector.load %arg16[%get3A_127, %get3A_128] : memref<8x64xi32, #tpu.memory_space<vmem>>, vector<8x64xi32>
      %broadcast_in_dim3A_130 = vector.shape_cast %get3A_129 : vector<8x64xi32> to vector<8x1x64xi32>
      %eq3A_131 = vector.broadcast %broadcast_in_dim3A_126 : vector<8x64x1xi32> to vector<8x64x64xi32>
      %eq3A_132 = vector.broadcast %broadcast_in_dim3A_130 : vector<8x1x64xi32> to vector<8x64x64xi32>
      %eq3A_133 = arith.cmpi eq, %eq3A_131, %eq3A_132 : vector<8x64x64xi32>
      %reduce_or3A = arith.constant 1.000000e+00 : f32
      %reduce_or3A_134 = arith.constant 0.000000e+00 : f32
      %reduce_or3A_135 = vector.broadcast %reduce_or3A : f32 to vector<8x64x64xf32>
      %reduce_or3A_136 = vector.broadcast %reduce_or3A_134 : f32 to vector<8x64x64xf32>
      %reduce_or3A_137 = arith.select %eq3A_133, %reduce_or3A_135, %reduce_or3A_136 : vector<8x64x64xi1>, vector<8x64x64xf32>
      %reduce_or3A_138 = arith.constant dense<0xFF800000> : vector<8x64xf32>
      %reduce_or3A_139 = vector.multi_reduction <maximumf>, %reduce_or3A_137, %reduce_or3A_138 [2] : vector<8x64x64xf32> to vector<8x64xf32>
      %reduce_or3A_140 = arith.constant 0.000000e+00 : f32
      %reduce_or3A_141 = vector.broadcast %reduce_or3A_140 : f32 to vector<8x64xf32>
      %reduce_or3A_142 = arith.cmpf ogt, %reduce_or3A_139, %reduce_or3A_141 : vector<8x64xf32>
      %reduce_or3A_143 = arith.constant 1.000000e+00 : f32
      %reduce_or3A_144 = arith.constant 0.000000e+00 : f32
      %reduce_or3A_145 = vector.broadcast %reduce_or3A_143 : f32 to vector<8x64x64xf32>
      %reduce_or3A_146 = vector.broadcast %reduce_or3A_144 : f32 to vector<8x64x64xf32>
      %reduce_or3A_147 = arith.select %eq3A_133, %reduce_or3A_145, %reduce_or3A_146 : vector<8x64x64xi1>, vector<8x64x64xf32>
      %reduce_or3A_148 = arith.constant dense<0xFF800000> : vector<8x64xf32>
      %reduce_or3A_149 = vector.multi_reduction <maximumf>, %reduce_or3A_147, %reduce_or3A_148 [1] : vector<8x64x64xf32> to vector<8x64xf32>
      %reduce_or3A_150 = arith.constant 0.000000e+00 : f32
      %reduce_or3A_151 = vector.broadcast %reduce_or3A_150 : f32 to vector<8x64xf32>
      %reduce_or3A_152 = arith.cmpf ogt, %reduce_or3A_149, %reduce_or3A_151 : vector<8x64xf32>
      %convert_element_type3A_153 = arith.extui %reduce_or3A_142 : vector<8x64xi1> to vector<8x64xi32>
      %convert_element_type3A_154 = arith.sitofp %convert_element_type3A_153 : vector<8x64xi32> to vector<8x64xf32>
      %convert_element_type3A_155 = arith.extui %reduce_or3A_152 : vector<8x64xi1> to vector<8x64xi32>
      %convert_element_type3A_156 = arith.sitofp %convert_element_type3A_155 : vector<8x64xi32> to vector<8x64xf32>
      %concatenate3A = tpu.concatenate %convert_element_type3A_154, %convert_element_type3A_156 in 1 : vector<8x64xf32>, vector<8x64xf32> -> vector<8x128xf32>
      %swap3A_157 = arith.constant 0 : index
      %swap3A_158 = arith.constant 0 : index
      %swap3A_159 = vector.load %arg25[%swap3A_157, %swap3A_158] : memref<8x128xf32, #tpu.memory_space<vmem>>, vector<8x128xf32>
      tpu.vector_store %arg25[%swap3A_157, %swap3A_158], %concatenate3A {strides = array<i32>} : memref<8x128xf32, #tpu.memory_space<vmem>>, vector<8x128xf32>,
    } else {
    }
    %get3A = arith.constant 0 : index
    %get3A_2 = arith.constant 0 : index
    %get3A_3 = vector.load %arg4[%get3A, %get3A_2] : memref<64x64xf32, #tpu.memory_space<vmem>>, vector<64x64xf32>
    %get3A_4 = arith.constant 0 : index
    %get3A_5 = arith.constant 0 : index
    %get3A_6 = vector.load %arg7[%get3A_4, %get3A_5] : memref<64x1xf32, #tpu.memory_space<vmem>>, vector<64x1xf32>
    %mul3A = vector.broadcast %get3A_6 : vector<64x1xf32> to vector<64x64xf32>
    %mul3A_7 = arith.mulf %get3A_3, %mul3A : vector<64x64xf32>
    %reduce_sum3A = arith.constant dense<0.000000e+00> : vector<64xf32>
    %reduce_sum3A_8 = vector.multi_reduction <add>, %mul3A_7, %reduce_sum3A [0] : vector<64x64xf32> to vector<64xf32>
    %broadcast_in_dim3A = vector.shape_cast %reduce_sum3A_8 : vector<64xf32> to vector<1x64xf32>
    %get3A_9 = arith.constant 0 : index
    %get3A_10 = arith.constant 0 : index
    %get3A_11 = vector.load %arg5[%get3A_9, %get3A_10] : memref<1x64xf32, #tpu.memory_space<vmem>>, vector<1x64xf32>
    %get3A_12 = arith.constant 0 : index
    %get3A_13 = arith.constant 0 : index
    %get3A_14 = vector.load %arg6[%get3A_12, %get3A_13] : memref<1x64xf32, #tpu.memory_space<vmem>>, vector<1x64xf32>
    %mul3A_15 = arith.mulf %get3A_11, %get3A_14 : vector<1x64xf32>
    %reduce_sum3A_16 = vector.shape_cast %mul3A_15 : vector<1x64xf32> to vector<1x1x64xf32>
    %reduce_sum3A_17 = arith.constant dense<0.000000e+00> : vector<1xf32>
    %reduce_sum3A_18 = vector.multi_reduction <add>, %reduce_sum3A_16, %reduce_sum3A_17 [1, 2] : vector<1x1x64xf32> to vector<1xf32>
    %reduce_sum3A_19 = vector.shape_cast %reduce_sum3A_18 : vector<1xf32> to vector<1x1x1xf32>
    %reduce_sum3A_20 = vector.extract %reduce_sum3A_19[0, 0, 0] : f32 from vector<1x1x1xf32>
    %get3A_21 = arith.constant 0 : index
    %get3A_22 = arith.constant 0 : index
    %get3A_23 = vector.load %arg6[%get3A_21, %get3A_22] : memref<1x64xf32, #tpu.memory_space<vmem>>, vector<1x64xf32>
    %convert_element_type3A_24 = arith.truncf %get3A_23 : vector<1x64xf32> to vector<1x64xbf16>
    %convert_element_type3A_25 = arith.truncf %broadcast_in_dim3A : vector<1x64xf32> to vector<1x64xbf16>
    %get3A_26 = arith.constant 0 : index
    %get3A_27 = arith.constant 0 : index
    %get3A_28 = vector.load %arg1[%get3A_26, %get3A_27] : memref<4096x64xf32, #tpu.memory_space<vmem>>, vector<4096x64xf32>
    %convert_element_type3A_29 = arith.truncf %get3A_28 : vector<4096x64xf32> to vector<4096x64xbf16>
    %dot_general3A = arith.constant dense<0.000000e+00> : vector<1x4096xf32>
    %dot_general3A_30 = tpu.matmul %convert_element_type3A_25, %convert_element_type3A_29, %dot_general3A {dimension_numbers = #tpu.dot_dimension_numbers<[1], [1], [0], [0], [0, 0, 1, 0], [], []>, transpose_lhs_hint = false} : vector<1x64xbf16>, vector<4096x64xbf16>, vector<1x4096xf32> -> vector<1x4096xf32>
    %add3A = vector.broadcast %reduce_sum3A_20 : f32 to vector<1x4096xf32>
    %add3A_31 = arith.addf %dot_general3A_30, %add3A : vector<1x4096xf32>
    %reshape3A = vector.shape_cast %add3A_31 : vector<1x4096xf32> to vector<4096xf32>
    %swap3A = arith.constant 0 : index
    %swap3A_32 = vector.load %arg21[%swap3A] : memref<4096xf32, #tpu.memory_space<vmem>>, vector<4096xf32>
    tpu.vector_store %arg21[%swap3A], %reshape3A {strides = array<i32>} : memref<4096xf32, #tpu.memory_space<vmem>>, vector<4096xf32>,
    %get3A_33 = arith.constant 0 : index
    %get3A_34 = arith.constant 0 : index
    %get3A_35 = vector.load %arg2[%get3A_33, %get3A_34] : memref<4096x64xf32, #tpu.memory_space<vmem>>, vector<4096x64xf32>
    %convert_element_type3A_36 = arith.truncf %get3A_35 : vector<4096x64xf32> to vector<4096x64xbf16>
    %dot_general3A_37 = arith.constant dense<0.000000e+00> : vector<1x4096xf32>
    %dot_general3A_38 = tpu.matmul %convert_element_type3A_24, %convert_element_type3A_36, %dot_general3A_37 {dimension_numbers = #tpu.dot_dimension_numbers<[1], [1], [0], [0], [0, 0, 1, 0], [], []>, transpose_lhs_hint = false} : vector<1x64xbf16>, vector<4096x64xbf16>, vector<1x4096xf32> -> vector<1x4096xf32>
    %reshape3A_39 = vector.shape_cast %dot_general3A_38 : vector<1x4096xf32> to vector<4096xf32>
    %swap3A_40 = arith.constant 0 : index
    %swap3A_41 = vector.load %arg22[%swap3A_40] : memref<4096xf32, #tpu.memory_space<vmem>>, vector<4096xf32>
    tpu.vector_store %arg22[%swap3A_40], %reshape3A_39 {strides = array<i32>} : memref<4096xf32, #tpu.memory_space<vmem>>, vector<4096xf32>,
    %get3A_42 = arith.constant 0 : index
    %get3A_43 = arith.constant 0 : index
    %get3A_44 = vector.load %arg3[%get3A_42, %get3A_43] : memref<4096x64xf32, #tpu.memory_space<vmem>>, vector<4096x64xf32>
    %convert_element_type3A_45 = arith.truncf %get3A_44 : vector<4096x64xf32> to vector<4096x64xbf16>
    %get3A_46 = arith.constant 0 : index
    %get3A_47 = arith.constant 0 : index
    %get3A_48 = vector.load %arg17[%get3A_46, %get3A_47] : memref<64x32xf32, #tpu.memory_space<vmem>>, vector<64x32xf32>
    %convert_element_type3A_49 = arith.truncf %get3A_48 : vector<64x32xf32> to vector<64x32xbf16>
    %dot_general3A_50 = arith.constant dense<0.000000e+00> : vector<4096x32xf32>
    %dot_general3A_51 = tpu.matmul %convert_element_type3A_45, %convert_element_type3A_49, %dot_general3A_50 {dimension_numbers = #tpu.dot_dimension_numbers<[1], [0], [0], [1], [0, 0, 1, 1], [], []>, transpose_lhs_hint = false} : vector<4096x64xbf16>, vector<64x32xbf16>, vector<4096x32xf32> -> vector<4096x32xf32>
    %get3A_52 = arith.constant 0 : index
    %get3A_53 = arith.constant 0 : index
    %get3A_54 = vector.load %arg18[%get3A_52, %get3A_53] : memref<1x32xf32, #tpu.memory_space<vmem>>, vector<1x32xf32>
    %add3A_55 = vector.broadcast %get3A_54 : vector<1x32xf32> to vector<4096x32xf32>
    %add3A_56 = arith.addf %dot_general3A_51, %add3A_55 : vector<4096x32xf32>
    %mul3A_57 = arith.constant 0.00999999977 : f32
    %mul3A_58 = vector.broadcast %mul3A_57 : f32 to vector<4096x32xf32>
    %mul3A_59 = arith.mulf %mul3A_58, %add3A_56 : vector<4096x32xf32>
    %max3A = arith.maximumf %add3A_56, %mul3A_59 : vector<4096x32xf32>
    %convert_element_type3A_60 = arith.truncf %max3A : vector<4096x32xf32> to vector<4096x32xbf16>
    %get3A_61 = arith.constant 0 : index
    %get3A_62 = arith.constant 0 : index
    %get3A_63 = vector.load %arg19[%get3A_61, %get3A_62] : memref<32x64xf32, #tpu.memory_space<vmem>>, vector<32x64xf32>
    %convert_element_type3A_64 = arith.truncf %get3A_63 : vector<32x64xf32> to vector<32x64xbf16>
    %dot_general3A_65 = arith.constant dense<0.000000e+00> : vector<4096x64xf32>
    %dot_general3A_66 = tpu.matmul %convert_element_type3A_60, %convert_element_type3A_64, %dot_general3A_65 {dimension_numbers = #tpu.dot_dimension_numbers<[1], [0], [0], [1], [0, 0, 1, 1], [], []>, transpose_lhs_hint = false} : vector<4096x32xbf16>, vector<32x64xbf16>, vector<4096x64xf32> -> vector<4096x64xf32>
    %get3A_67 = arith.constant 0 : index
    %get3A_68 = arith.constant 0 : index
    %get3A_69 = vector.load %arg20[%get3A_67, %get3A_68] : memref<1x64xf32, #tpu.memory_space<vmem>>, vector<1x64xf32>
    %add3A_70 = vector.broadcast %get3A_69 : vector<1x64xf32> to vector<4096x64xf32>
    %add3A_71 = arith.addf %dot_general3A_66, %add3A_70 : vector<4096x64xf32>
    %convert_element_type3A_72 = arith.truncf %add3A_71 : vector<4096x64xf32> to vector<4096x64xbf16>
    %dot_general3A_73 = arith.constant dense<0.000000e+00> : vector<1x4096xf32>
    %dot_general3A_74 = tpu.matmul %convert_element_type3A_24, %convert_element_type3A_72, %dot_general3A_73 {dimension_numbers = #tpu.dot_dimension_numbers<[1], [1], [0], [0], [0, 0, 1, 0], [], []>, transpose_lhs_hint = false} : vector<1x64xbf16>, vector<4096x64xbf16>, vector<1x4096xf32> -> vector<1x4096xf32>
    %reshape3A_75 = vector.shape_cast %dot_general3A_74 : vector<1x4096xf32> to vector<4096xf32>
    %swap3A_76 = arith.constant 0 : index
    %swap3A_77 = vector.load %arg23[%swap3A_76] : memref<4096xf32, #tpu.memory_space<vmem>>, vector<4096xf32>
    tpu.vector_store %arg23[%swap3A_76], %reshape3A_75 {strides = array<i32>} : memref<4096xf32, #tpu.memory_space<vmem>>, vector<4096xf32>,
    return
  }
  func.func @transform_0(%arg0: i32) -> (i32, i32) {
    %c0_i32 = arith.constant 0 : i32
    %c0_i32_0 = arith.constant 0 : i32
    return %arg0, %c0_i32 : i32, i32
  }
  func.func @transform_1(%arg0: i32) -> (i32, i32) {
    %c0_i32 = arith.constant 0 : i32
    %c0_i32_0 = arith.constant 0 : i32
    return %arg0, %c0_i32 : i32, i32
  }
  func.func @transform_2(%arg0: i32) -> (i32, i32) {
    %c0_i32 = arith.constant 0 : i32
    %c0_i32_0 = arith.constant 0 : i32
    return %arg0, %c0_i32 : i32, i32
  }
  func.func @transform_3(%arg0: i32) -> (i32, i32) {
    %c0_i32 = arith.constant 0 : i32
    %c0_i32_0 = arith.constant 0 : i32
    %c0_i32_1 = arith.constant 0 : i32
    return %c0_i32, %c0_i32_0 : i32, i32
  }
  func.func @transform_4(%arg0: i32) -> (i32, i32) {
    %c0_i32 = arith.constant 0 : i32
    %c0_i32_0 = arith.constant 0 : i32
    %c0_i32_1 = arith.constant 0 : i32
    return %c0_i32, %c0_i32_0 : i32, i32
  }
  func.func @transform_5(%arg0: i32) -> (i32, i32) {
    %c0_i32 = arith.constant 0 : i32
    %c0_i32_0 = arith.constant 0 : i32
    %c0_i32_1 = arith.constant 0 : i32
    return %c0_i32, %c0_i32_0 : i32, i32
  }
  func.func @transform_6(%arg0: i32) -> (i32, i32) {
    %c0_i32 = arith.constant 0 : i32
    %c0_i32_0 = arith.constant 0 : i32
    %c0_i32_1 = arith.constant 0 : i32
    return %c0_i32, %c0_i32_0 : i32, i32
  }
  func.func @transform_7(%arg0: i32) -> (i32, i32) {
    %c0_i32 = arith.constant 0 : i32
    %c0_i32_0 = arith.constant 0 : i32
    %c0_i32_1 = arith.constant 0 : i32
    return %c0_i32, %c0_i32_0 : i32, i32
  }
  func.func @transform_8(%arg0: i32) -> (i32, i32) {
    %c0_i32 = arith.constant 0 : i32
    %c0_i32_0 = arith.constant 0 : i32
    %c0_i32_1 = arith.constant 0 : i32
    return %c0_i32, %c0_i32_0 : i32, i32
  }
  func.func @transform_9(%arg0: i32) -> (i32, i32) {
    %c0_i32 = arith.constant 0 : i32
    %c0_i32_0 = arith.constant 0 : i32
    %c0_i32_1 = arith.constant 0 : i32
    return %c0_i32, %c0_i32_0 : i32, i32
  }
  func.func @transform_10(%arg0: i32) -> (i32, i32) {
    %c0_i32 = arith.constant 0 : i32
    %c0_i32_0 = arith.constant 0 : i32
    %c0_i32_1 = arith.constant 0 : i32
    return %c0_i32, %c0_i32_0 : i32, i32
  }
  func.func @transform_11(%arg0: i32) -> (i32, i32) {
    %c0_i32 = arith.constant 0 : i32
    %c0_i32_0 = arith.constant 0 : i32
    %c0_i32_1 = arith.constant 0 : i32
    return %c0_i32, %c0_i32_0 : i32, i32
  }
  func.func @transform_12(%arg0: i32) -> (i32, i32) {
    %c0_i32 = arith.constant 0 : i32
    %c0_i32_0 = arith.constant 0 : i32
    %c0_i32_1 = arith.constant 0 : i32
    return %c0_i32, %c0_i32_0 : i32, i32
  }
  func.func @transform_13(%arg0: i32) -> (i32, i32) {
    %c0_i32 = arith.constant 0 : i32
    %c0_i32_0 = arith.constant 0 : i32
    %c0_i32_1 = arith.constant 0 : i32
    return %c0_i32, %c0_i32_0 : i32, i32
  }
  func.func @transform_14(%arg0: i32) -> (i32, i32) {
    %c0_i32 = arith.constant 0 : i32
    %c0_i32_0 = arith.constant 0 : i32
    %c0_i32_1 = arith.constant 0 : i32
    return %c0_i32, %c0_i32_0 : i32, i32
  }
  func.func @transform_15(%arg0: i32) -> (i32, i32) {
    %c0_i32 = arith.constant 0 : i32
    %c0_i32_0 = arith.constant 0 : i32
    %c0_i32_1 = arith.constant 0 : i32
    return %c0_i32, %c0_i32_0 : i32, i32
  }
  func.func @transform_16(%arg0: i32) -> (i32, i32) {
    %c0_i32 = arith.constant 0 : i32
    %c0_i32_0 = arith.constant 0 : i32
    %c0_i32_1 = arith.constant 0 : i32
    return %c0_i32, %c0_i32_0 : i32, i32
  }
  func.func @transform_17(%arg0: i32) -> (i32, i32) {
    %c0_i32 = arith.constant 0 : i32
    %c0_i32_0 = arith.constant 0 : i32
    %c0_i32_1 = arith.constant 0 : i32
    return %c0_i32, %c0_i32_0 : i32, i32
  }
  func.func @transform_18(%arg0: i32) -> (i32, i32) {
    %c0_i32 = arith.constant 0 : i32
    %c0_i32_0 = arith.constant 0 : i32
    %c0_i32_1 = arith.constant 0 : i32
    return %c0_i32, %c0_i32_0 : i32, i32
  }
  func.func @transform_19(%arg0: i32) -> (i32, i32) {
    %c0_i32 = arith.constant 0 : i32
    %c0_i32_0 = arith.constant 0 : i32
    %c0_i32_1 = arith.constant 0 : i32
    return %c0_i32, %c0_i32_0 : i32, i32
  }
  func.func @transform_20(%arg0: i32) -> i32 {
    %c0_i32 = arith.constant 0 : i32
    return %arg0 : i32
  }
  func.func @transform_21(%arg0: i32) -> i32 {
    %c0_i32 = arith.constant 0 : i32
    return %arg0 : i32
  }
  func.func @transform_22(%arg0: i32) -> i32 {
    %c0_i32 = arith.constant 0 : i32
    return %arg0 : i32
  }
  func.func @transform_23(%arg0: i32) -> (i32, i32) {
    %c0_i32 = arith.constant 0 : i32
    %c0_i32_0 = arith.constant 0 : i32
    %c0_i32_1 = arith.constant 0 : i32
    return %c0_i32, %c0_i32_0 : i32, i32
  }
  func.func @transform_24(%arg0: i32) -> (i32, i32) {
    %c0_i32 = arith.constant 0 : i32
    %c0_i32_0 = arith.constant 0 : i32
    %c0_i32_1 = arith.constant 0 : i32
    return %c0_i32, %c0_i32_0 : i32, i32
  }
}

</mosaic_0001>

<sc_bundles>
// kernel: kernel.4.cloned.1.call-start
scs
__scs_entry_jumppad:
0x0: {  	(pc) =	sbr.rel $0x88, $3  }
0x1: {  	(tag) =	ssettag $0x0;
	lr =	simm.s32 $0x1  }
0x2: {  	[smem:$0x3F8E] =	sst lr;
	_ =	strace $0xD0000000  }
0x3: {  	_ = 	snop  }
0x4: {  	_ = 	snop  }
0x5: {  	_ = 	snop  }
0x6: {  	_ = 	snop  }
0x7: {  	_ = 	snop  }
__scs_overlays_trampoline_lowered:
0x8: {  	[smem:$0x3F9D] =	sst s0  }
0x9: {  	[smem:$0x3F9E] =	sst s1  }
0xa: {  	[smem:$0x3F9F] =	sst s2  }
0xb: {  	[smem:$0x3FA0] =	sst s3  }
0xc: {  	[smem:$0x3FA1] =	sst s4  }
0xd: {  	[smem:$0x3FA2] =	sst s5  }
0xe: {  	[smem:$0x3FA3] =	sst s6  }
0xf: {  	[smem:$0x3FA4] =	sst s7  }
0x10: {  	[smem:$0x3FA5] =	sst s8  }
0x11: {  	[smem:$0x3FA6] =	sst s9;
	s0 =	simm.s32 @!p0 $0x0  }
0x12: {  	s1 =	sld [smem:$0x3F8C];
	s0 =	simm.s32 @p0 $0x1  }
0x13: {  	[smem:$0x3FA7] =	sst s0;
	s0 =	simm.s32 @!p1 $0x0  }
0x14: {  	s2 =	sld [smem:$0x3F8B];
	s0 =	simm.s32 @p1 $0x1  }
0x15: {  	[smem:$0x3FA8] =	sst s0;
	s0 =	simm.s32 @!p2 $0x0  }
0x16: {  	s3 =	sld [smem:$0x3FDB];
	s0 =	simm.s32 @p2 $0x1  }
0x17: {  	s4 =	simm.s32 $0x1BF5;
	[smem:$0x3FAA] =	sst s0  }
0x18: {  	s0 =	sld [smem:$0x3F8D];
	_ =	swait.ge [sflag:s4], $0x0  }
0x19: {  	s7 =	sld [smem:$0x3F8E]  }
0x1a: {  	s8 =	sadd.s32 $0xFFFFE003, lr  }
0x1b: {  	s9 =	sadd.s32 $0xFFFFFEF7, lr;
	s5 =	simm.s32 $0xFFFFFFFF;
	p2 =	slt.u32 s8, $0xFFFFF086  }
0x1c: {  	p1 =	slt.u32 s9, $0xF7A;
	s5 =	simm.s32 @!p2 $0x0  }
0x1d: {  	s5 =	simm.s32 @p1 $0x1;
	p0 =	seq.s32 s7, s2  }
0x1e: {  	s7 =	smul.u32 @!p0 $0xF7A, s2;
	p2 =	seq.s32 @!p0 s5, $0x0  }
0x1f: {  	s9 =	smul.u32 $0xF7A, s1;
	s8 =	simm.s32 @!p0 $0x1BF5;
	p2 =	por !p2, p0  }
0x20: {  	[sflag:s8] =	ssyncset.s32 @!p0 $0xFFFFF086;
	s6 =	sadd.s32 @!p0 s3, s7;
	s7 =	simm.s32 @!p0 $0x108  }
0x21: {  	s3 =	sadd.s32 s3, s9;
	s6 =	sadd.s32 @!p0 $0x88, s6;
	s7 =	simm.s32 @p2 $0x1082  }
0x22: {  	[simem:s7], [sflag:s8] =	dma.local @!p0 [hbm:s6], $0xF7A  }
0x23: {  	s9 =	sor.u32 $0xD0000000, s2;
	s6 =	simm.s32 $0x108;
	_ =	swait.ge @!p0 [sflag:s8], $0x0  }
0x24: {  	s3 =	sadd.s32 $0x88, s3;
	s6 =	simm.s32 @!p1 $0x1082;
	[sflag:s4] =	ssyncset.s32 $0xFFFFF086  }
0x25: {  	[simem:s6], [sflag:s4] =	dma.local [hbm:s3], $0xF7A  }
0x26: {  	[smem:$0x3F8E] =	sst s1;
	(tag) =	ssettag s2;
	_ =	strace s9  }
0x27: {  	s1 =	sld [smem:$0x3F9E]  }
0x28: {  	s2 =	sld [smem:$0x3F9F]  }
0x29: {  	s4 =	sld [smem:$0x3FA1]  }
0x2a: {  	p0 =	seq.s32 s5, $0x0;
	s5 =	sld [smem:$0x3FA2]  }
0x2b: {  	s6 =	sld [smem:$0x3FA3]  }
0x2c: {  	s7 =	sld [smem:$0x3FA4]  }
0x2d: {  	s3 =	simm.s32 $0x108;
	s8 =	sld [smem:$0x3FA5]  }
0x2e: {  	s3 =	simm.s32 @!p0 $0x1082;
	s9 =	sld [smem:$0x3FA6]  }
0x2f: {  	lr =	sadd.s32 s0, s3;
	s0 =	sld [smem:$0x3F9D]  }
0x30: {  	s3 =	sld [smem:$0x3FA0]  }
0x31: {  	[smem:$0x3FA9] =	sst s10  }
0x32: {  	s10 =	sld [smem:$0x3FA7];
	_ =	sdelay $0x3  }
0x33: {  	p0 =	seq.s32 s10, $0x1;
	s10 =	sld [smem:$0x3FA9];
	_ =	sdelay $0x3  }
0x34: {  	[smem:$0x3FA9] =	sst s10  }
0x35: {  	s10 =	sld [smem:$0x3FA8];
	_ =	sdelay $0x3  }
0x36: {  	p1 =	seq.s32 s10, $0x1;
	s10 =	sld [smem:$0x3FA9];
	_ =	sdelay $0x3  }
0x37: {  	[smem:$0x3FA9] =	sst s10  }
0x38: {  	s10 =	sld [smem:$0x3FAA]  }
0x39: {  	_ = 	snop;
	(pc) =	sbr.ind lr, $3  }
0x3a: {  	_ = 	snop  }
0x3b: {  	_ = 	snop  }
0x3c: {  	p2 =	seq.s32 s10, $0x1;
	s10 =	sld [smem:$0x3FA9]  }
0x3d: {  	_ =	shalt  }
0x3e: {  	_ =	shalt  }
0x3f: {  	_ =	shalt  }
0x40: {  	_ =	shalt  }
0x41: {  	_ =	shalt  }
0x42: {  	_ =	shalt  }
0x43: {  	_ =	shalt  }
0x44: {  	_ =	shalt  }
0x45: {  	_ =	shalt  }
0x46: {  	_ =	shalt  }
0x47: {  	_ =	shalt  }
0x48: {  	_ =	shalt  }
0x49: {  	_ =	shalt  }
0x4a: {  	_ =	shalt  }
0x4b: {  	_ =	shalt  }
0x4c: {  	_ =	shalt  }
0x4d: {  	_ =	shalt  }
0x4e: {  	_ =	shalt  }
0x4f: {  	_ =	shalt  }
0x50: {  	_ =	shalt  }
0x51: {  	_ =	shalt  }
0x52: {  	_ =	shalt  }
0x53: {  	_ =	shalt  }
0x54: {  	_ =	shalt  }
0x55: {  	_ =	shalt  }
0x56: {  	_ =	shalt  }
0x57: {  	_ =	shalt  }
0x58: {  	_ =	shalt  }
0x59: {  	_ =	shalt  }
0x5a: {  	_ =	shalt  }
0x5b: {  	_ =	shalt  }
0x5c: {  	_ =	shalt  }
0x5d: {  	_ =	shalt  }
0x5e: {  	_ =	shalt  }
0x5f: {  	_ =	shalt  }
0x60: {  	_ =	shalt  }
0x61: {  	_ =	shalt  }
0x62: {  	_ =	shalt  }
0x63: {  	_ =	shalt  }
0x64: {  	_ =	shalt  }
0x65: {  	_ =	shalt  }
0x66: {  	_ =	shalt  }
0x67: {  	_ =	shalt  }
0x68: {  	_ =	shalt  }
0x69: {  	_ =	shalt  }
0x6a: {  	_ =	shalt  }
0x6b: {  	_ =	shalt  }
0x6c: {  	_ =	shalt  }
0x6d: {  	_ =	shalt  }
0x6e: {  	_ =	shalt  }
0x6f: {  	_ =	shalt  }
0x70: {  	_ =	shalt  }
0x71: {  	_ =	shalt  }
0x72: {  	_ =	shalt  }
0x73: {  	_ =	shalt  }
0x74: {  	_ =	shalt  }
0x75: {  	_ =	shalt  }
0x76: {  	_ =	shalt  }
0x77: {  	_ =	shalt  }
0x78: {  	_ =	shalt  }
0x79: {  	_ =	shalt  }
0x7a: {  	_ =	shalt  }
0x7b: {  	_ =	shalt  }
0x7c: {  	_ =	shalt  }
0x7d: {  	_ =	shalt  }
0x7e: {  	_ =	shalt  }
0x7f: {  	_ =	shalt  }
0x80: {  	_ =	shalt  }
0x81: {  	_ =	shalt  }
0x82: {  	_ =	shalt  }
0x83: {  	_ =	shalt  }
0x84: {  	_ =	shalt  }
0x85: {  	_ =	shalt  }
0x86: {  	_ =	shalt  }
0x87: {  	_ =	shalt  }
.Lfunc_end0:
.L_simem_size_0:
called_computation_lowered:
.L_overlay_start_0:
0x88: {  	s2 =	sld [smem:$0x3FD9]  }
0x89: {  	s3 =	sld [smem:$0x3FFE];
	_ =	sdelay $0x1  }
0x8a: {  	s1 =	srdreg.scid  }
0x8b: {  	s0 =	sand.u32 $0x1, s1  }
0x8c: {  	s17 =	sshll.u32 s0, $0xA;
	s2 =	sadd.s32 s3, s2  }
0x8d: {  	s2 =	sadd.s32 s2, s17  }
0x8e: {  	[smem:$0x3FB5] =	sst s2  }
0x8f: {  	_ = 	snop  }
0x90: {  	s2 =	sld [smem:$0x3FD0];
	(tm) =	ssettm $0x1  }
0x91: {  	s18 =	sld [smem:$0x3FFB];
	_ =	sdelay $0x3  }
0x92: {  	_ =	strace s18  }
0x93: {  	s3 =	sld [smem:$0x3FFC];
	_ =	sdelay $0x3  }
0x94: {  	_ =	strace s3  }
0x95: {  	s3 =	sld [smem:$0x3FFD];
	_ =	sdelay $0x3  }
0x96: {  	_ =	strace s3  }
0x97: {  	_ =	strace $0x8FFFFFFF  }
0x98: {  	s19 =	sld [smem:$0x3FDB];
	_ =	sdelay $0x1  }
0x99: {  	s4 =	simm.s32 $_scs_section_size  }
0x9a: {  	s5 =	simm.s32 $_size__tile_overlayer_lowered;
	s6 =	simm.s32 $_tile_overlayer_lowered  }
0x9b: {  	s22 =	simm.s32 $0x1BFF;
	s21 =	sshll.u32 s6, $0x1;
	s3 =	sadd.s32 s4, s19  }
0x9c: {  	s7 =	simm.s32 $0x0;
	s20 =	sshll.u32 s5, $0x1;
	s5 =	sadd.s32 s21, s3  }
0x9d: {  	[timem:s7], [sflag:s22] =	dma.local [hbm:s5], s20  }
0x9e: {  	_ =	swait.ge [sflag:s22], s20  }
0x9f: {  	s4 =	ssub.s32 $0x0, s20;
	[sflag:s22] =	ssyncset.done $0x0  }
0xa0: {  	[sflag:s22] =	ssyncadd.s32 s4;
	_ =	sdelay $0x1  }
0xa1: {  	s23 =	simm.s32 $0x1B8B  }
0xa2: {  	_ =	swait.ge [sflag:s23], $0x1  }
0xa3: {  	[sflag:s23] =	ssyncset.done $0x0  }
0xa4: {  	s25 =	simm.s32 $0x1B8E;
	s24 =	sld [smem:$0x3FFE];
	[sflag:s23] =	ssyncadd.s32 $0xFFFFFFFF  }
0xa5: {  	s26 =	simm.s32 $execute0_lowered;
	[smem:$0x3FD2] =	sst s25  }
0xa6: {  	s5 =	sshll.u32 s26, $0x1;
	_ =	strace $0x80000046;
	[dreg:$0x1] =	wrdreg $0xFFFFFFFF  }
0xa7: {  	s28 =	simm.s32 $_size_execute0_lowered;
	s3 =	sadd.s32 s3, s5;
	[dreg:$0x0] =	wrdreg $0x0  }
0xa8: {  	s5 =	sshll.u32 s28, $0x1;
	[dreg:$0x2] =	wrdreg s3  }
0xa9: {  	[dreg:$0x3] =	wrdreg s5  }
0xaa: {  	[dreg:$0x4] =	wrdreg $0xC0  }
0xab: {  	_ =	task [dreg:s7], $0x5FFFF  }
0xac: {  	[dreg:$0x1] =	wrdreg $0xFFFFFFFF  }
0xad: {  	[dreg:$0x0] =	wrdreg $0x60  }
0xae: {  	[dreg:$0x2] =	wrdreg s2  }
0xaf: {  	[dreg:$0x3] =	wrdreg s24  }
0xb0: {  	[dreg:$0x4] =	wrdreg $0x154000  }
0xb1: {  	[dreg:$0x5] =	wrdreg $0x9  }
0xb2: {  	_ =	task.clear_ibuf [dreg:s7], $0x6FFFF;
	_ =	strace $0x90000046  }
0xb3: {  	s29 =	simm.s32 $0x9;
	_ =	strace $0x80000048  }
0xb4: {  	_ =	swait.ge [sflag:s29], $0x1  }
0xb5: {  	[sflag:s29] =	ssyncadd.s32 $0xFFFFFFFF  }
0xb6: {  	_ =	strace $0x90000048  }
0xb7: {  	_ =	sfence  }
0xb8: {  	s30 =	sld [smem:$0x0];
	_ =	sdelay $0x2  }
0xb9: {  	s31 =	sshll.u32 s1, $0xD;
	s1 =	sshrl.u32 s1, $0x2  }
0xba: {  	s3 =	sand.u32 $0x4000, s31;
	s1 =	sadd.s32 s1, s30  }
0xbb: {  	s0 =	sor.u32 s3, s0;
	s1 =	sshll.u32 s1, $0x11  }
0xbc: {  	s0 =	sor.u32 s1, s0  }
0xbd: {  	s0 =	sadd.s32 $0x8F2B, s0  }
0xbe: {  	[sflag:s0] =	ssyncadd.remote.s32 $0x1  }
0xbf: {  	_ =	sfence.sel $0xFFFF  }
0xc0: {  	[dreg:$0x0] =	wrdreg $0xFFFFFFFF;
	(pc) =	sbr.abs _section_cstart, $3  }
0xc1: {  	[dreg:$0x1] =	wrdreg $0xFFFFFFFF  }
0xc2: {  	_ =	task.clear_ibuf [dreg:s7], $0x2FFFF;
	_ =	strace $0x9FFFFFFF  }
0xc3: {  	(tm) =	ssettm $0x7FFFFFFF  }
tec
execute0_lowered:
.L_overlay_start_1:
0x0: {  	(tag) =	ssettag $0x1  }
0x1: {  	s0 =	rddreg [dreg:$0x0]  }
0x2: {  	s1 =	rddreg [dreg:$0x1]  }
0x3: {  	s13 =	rddreg [dreg:$0x2]  }
0x4: {  	s3 =	simm.s32 $0x0;
	s2 =	srdreg.scid;
	s22 =	stileid.u32  }
0x5: {  	s23 =	simm.s32 $0x13780;
	s28 =	simm.s32 $0x2;
	s29 =	simm.s32 $0x1  }
0x6: {  	s31 =	simm.s32 $0x3;
	[smem:$0x7FF] =	sst s3;
	s2 =	sand.u32 $0x1, s2  }
0x7: {  	s5 =	sshll.u32 s22, $0x1;
	s4 =	sadd.s32 $0x6E00, s1;
	s6 =	sadd.s32 $0x2E00, s1  }
0x8: {  	s24 =	sadd.s32 $0x4C00, s1;
	s7 =	sadd.s32 $0x6C00, s1;
	s8 =	sadd.s32 $0x2A00, s1  }
0x9: {  	s9 =	sadd.s32 $0x2C00, s1;
	s10 =	sadd.s32 $0x6A00, s1;
	s12 =	sshll.u32 s22, $0xA  }
0xa: {  	p1 =	seq.s32 s22, $0x0;
	p0 =	sgt.s32 s22, $0x1;
	p3 =	seq.s32 s22, $0x2  }
0xb: {  	p4 =	seq.s32 s22, $0x3;
	_ =	strace $0x80000047;
	[dreg:$0x4] =	wrdreg s6  }
0xc: {  	s5 =	sor.u32 s2, s5;
	[dreg:$0x5] =	wrdreg s24;
	s2 =	ssub.s32 $0x2, s2  }
0xd: {  	s26 =	sadd.s32 s12, s13;
	s4 =	smov.u32 @p1 s0;
	p2 =	seq.s32 @!p1 s22, $0x1  }
0xe: {  	s24 =	simm.s32 $0x0;
	s5 =	smul.u32 $0x780, s5;
	s11 =	sshrl.u32 s2, $0x1  }
0xf: {  	[dreg:$0x6] =	wrdreg s26;
	p1 =	por p1, p2;
	p2 =	sgt.u32 s22, $0x3  }
0x10: {  	s2 =	ssub.s32 s2, s11;
	s25 =	sshrl.u32 s5, $0x3;
	s30 =	sadd.s32 $0x780, s5  }
0x11: {  	s21 =	smax.u32 s2, $0x1;
	s1 =	sadd.s32 s25, s1;
	s11 =	sadd.s32 s0, s25  }
0x12: {  	s0 =	simm.s32 $0xF400;
	s13 =	sadd.s32 $0x8C00, s1;
	s14 =	sadd.s32 $0xAA00, s1  }
0x13: {  	s15 =	sadd.s32 $0xC800, s1;
	s16 =	sadd.s32 $0xE600, s1;
	s17 =	sadd.s32 $0x10400, s1  }
0x14: {  	v0 =	vmov s5;
	v1 =	vmov s30;
	s18 =	sadd.s32 $0x12200, s1;
	s19 =	sadd.s32 $0x14000, s1;
	s20 =	sadd.s32 $0x15E00, s1  }
.LBB2_1:
0x15: {  	s1 =	simm.s32 $0x13000  }
0x16: {  	[tilespmem:s1], [sflag:$0x1] =	stream.linear.gather [hbm4b:s11+s3], $0x780, $0x38;
	[tilespmem:$0x15500] =	vst v63  }
0x17: {  	_ = 	snop  }
0x18: {  	[tilespmem:s23], [sflag:$0x1] =	stream.linear.gather [hbm4b:s7+s3], $0x80, $0x38;
	[tilespmem:$0x15500] =	vst v63  }
0x19: {  	s25 =	simm.s32 $0x13800  }
0x1a: {  	[tilespmem:s25], [sflag:$0x1] =	stream.linear.gather [hbm4b:s8+s3], $0x400, $0x38;
	[tilespmem:$0x15500] =	vst v63  }
.Ltmp0:
0x1b: {  	_ = 	snop;
	(pc) =	sbr.rel @p0 .LBB2_3-.Ltmp0, $4  }
0x1c: {  	s26 =	simm.s32 $0x13C00  }
0x1d: {  	[tilespmem:s26], [sflag:$0x1] =	stream.linear.gather [hbm4b:s9+s3], $0x400, $0x38;
	[tilespmem:$0x15500] =	vst v63  }
0x1e: {  	s30 =	simm.s32 $0x14000  }
0x1f: {  	[tilespmem:s30], [sflag:$0x1] =	stream.linear.gather [hbm4b:s10+s3], $0x400, $0x38;
	[tilespmem:$0x15500] =	vst v63  }
.Ltmp1:
0x20: {  	(pc) =	sbr.rel @p1 .LBB2_6-.Ltmp1, $4  }
.Ltmp2:
0x21: {  	(pc) =	sbr.rel @!p1 .LBB2_7-.Ltmp2, $4  }
0x22: {  	_ = 	snop  }
0x23: {  	_ = 	snop  }
0x24: {  	s1 =	smov.u32 s4  }
0x25: {  	_ = 	snop  }
.LBB2_3:
.Ltmp3:
0x26: {  	(pc) =	sbr.rel @p3 .LBB2_6-.Ltmp3, $2  }
0x27: {  	_ =	sdelay $0x2  }
0x28: {  	s1 =	rddreg [dreg:$0x4]  }
.Ltmp4:
0x29: {  	(pc) =	sbr.rel @!p4 .LBB2_7-.Ltmp4, $1  }
0x2a: {  	_ =	sdelay $0x3  }
0x2b: {  	s1 =	rddreg [dreg:$0x5]  }
.LBB2_6:
0x2c: {  	[tilespmem:s3], [sflag:$0x2] =	stream.linear.gather [hbm4b:s1+s3], $0xF000, $0x38;
	[tilespmem:$0x15500] =	vst v63  }
0x2d: {  	_ =	swait.ge [sflag:s28], $0xF000  }
0x2e: {  	[sflag:s28] =	ssyncset.done $0x0  }
0x2f: {  	[sflag:s28] =	ssyncadd.s32 $0xFFFF1000  }
.LBB2_7:
0x30: {  	_ =	swait.ge [sflag:s29], $0x780  }
0x31: {  	[sflag:s29] =	ssyncset.done $0x0  }
0x32: {  	[sflag:s29] =	ssyncadd.s32 $0xFFFFF880  }
0x33: {  	_ =	swait.ge [sflag:s29], $0x80  }
0x34: {  	[sflag:s29] =	ssyncset.done $0x0  }
0x35: {  	[sflag:s29] =	ssyncadd.s32 $0xFFFFFF80  }
0x36: {  	_ =	swait.ge [sflag:s29], $0x400  }
0x37: {  	[sflag:s29] =	ssyncset.done $0x0  }
0x38: {  	[sflag:s29] =	ssyncadd.s32 $0xFFFFFC00  }
0x39: {  	_ =	swait.ge [sflag:s29], $0x400  }
.Ltmp5:
0x3a: {  	[sflag:s29] =	ssyncset.done $0x0;
	(pc) =	sbr.rel @p2 .LBB2_11-.Ltmp5, $4  }
0x3b: {  	[sflag:s29] =	ssyncadd.s32 $0xFFFFFC00  }
0x3c: {  	_ =	swait.ge [sflag:s29], $0x400  }
0x3d: {  	[sflag:s29] =	ssyncset.done $0x0  }
0x3e: {  	s2 =	simm.s32 $0x0;
	[sflag:s29] =	ssyncadd.s32 $0xFFFFFC00  }
0x3f: {  	s1 =	simm.s32 $0x0  }
0x40: {  	v2 =	vld [tilespmem:s1+$0x13800];
	_ =	sdelay $0x7  }
0x41: {  	s5 =	simm.s32 $0x10;
	s6 =	simm.s32 $0x80;
	v2 =	vld.idx.msk [tilespmem:v2+s3+$0x0], $0xffff  }
.LBB2_9:
0x42: {  	p5 =	sne.s32 s6, $0xFC0;
	v3 =	vld [tilespmem:s5+$0x13800];
	_ =	sdelay $0x3  }
.Ltmp6:
0x43: {  	(pc) =	sbr.rel @p5 .LBB2_9-.Ltmp6, $2  }
0x44: {  	[tilespmem:s1+$0xF000] =	vst v2;
	s1 =	smov.u32 s5;
	_ =	sdelay $0x2  }
0x45: {  	s5 =	sshra.s32 s6, $0x2;
	s6 =	sadd.s32 $0x40, s6;
	v2 =	vld.idx.msk [tilespmem:v3+s3+$0x0], $0xffff  }
0x46: {  	v3 =	vld [tilespmem:s5+$0x13800];
	_ =	sdelay $0x6  }
0x47: {  	[tilespmem:s1+$0xF000] =	vst v2  }
0x48: {  	v2 =	vld.idx.msk [tilespmem:v3+s3+$0x0], $0xffff;
	_ =	sdelay $0x4  }
0x49: {  	s26 =	rddreg [dreg:$0x6];
	s30 =	simm.s32 $0xF000;
	[tilespmem:s5+$0xF000] =	vst v2  }
0x4a: {  	[spmem:s26] =	stream.linear.scatter [tilespmem:s30], [sflag:$0x3], $0x400, $0x38;
	[tilespmem:$0x15500] =	vst v63  }
0x4b: {  	_ =	swait.ge [sflag:s31], $0x400  }
0x4c: {  	[sflag:s31] =	ssyncset.done $0x0  }
0x4d: {  	[sflag:s31] =	ssyncadd.s32 $0xFFFFFC00  }
.LBB2_11:
0x4e: {  	v2 =	vld [tilespmem:$0x13780]  }
0x4f: {  	v4 =	vld [tilespmem:$0x137A0]  }
0x50: {  	v5 =	vld [tilespmem:$0x137D0];
	s1 =	simm.s32 $0x13000  }
0x51: {  	v9 =	vld [tilespmem:s1+$0x0]  }
0x52: {  	v8 =	vld [tilespmem:$0x137F0]  }
0x53: {  	v7 =	vld [tilespmem:$0x137E0];
	_ =	sdelay $0x1  }
0x54: {  	v10 =	vld [tilespmem:$0x137C0]  }
0x55: {  	v6 =	vld [tilespmem:$0x137B0];
	v14 =	vadd.f32 v9, v2  }
0x56: {  	v3 =	vld [tilespmem:$0x13790];
	s5 =	simm.s32 $0xF400;
	v12 =	vadd.f32 v9, v5;
	v13 =	vadd.f32 v9, v8  }
0x57: {  	s6 =	simm.s32 $0x10;
	s2 =	sand.u32 $0x7F0, s2;
	v11 =	vadd.f32 v9, v4;
	[tilespmem:s5+$0x0] =	vst v14;
	v14 =	vadd.f32 v9, v7  }
.LBB2_12:
0x58: {  	p5 =	sne.s32 s6, $0x770;
	[tilespmem:s2+$0x12880] =	vst v13;
	s1 =	sadd.s32 $0x10, s1;
	s5 =	sadd.s32 $0x10, s5  }
0x59: {  	v13 =	vadd.f32 v9, v10;
	s25 =	smov.u32 s6;
	s6 =	sadd.s32 $0x10, s6;
	[tilespmem:s2+$0x12100] =	vst v14  }
0x5a: {  	v14 =	vadd.f32 v9, v6;
	[tilespmem:s2+$0x11980] =	vst v12  }
0x5b: {  	v9 =	vadd.f32 v9, v3;
	[tilespmem:s2+$0x11200] =	vst v13  }
0x5c: {  	[tilespmem:s2+$0x10A80] =	vst v14  }
0x5d: {  	[tilespmem:s2+$0xFB80] =	vst v9  }
0x5e: {  	[tilespmem:s2+$0x10300] =	vst v11  }
0x5f: {  	v9 =	vld [tilespmem:s1+$0x0];
	_ =	sdelay $0x2  }
.Ltmp7:
0x60: {  	(pc) =	sbr.rel @p5 .LBB2_12-.Ltmp7, $4  }
0x61: {  	_ = 	snop  }
0x62: {  	v14 =	vadd.f32 v9, v2;
	v12 =	vadd.f32 v9, v5  }
0x63: {  	v11 =	vadd.f32 v9, v4;
	v13 =	vadd.f32 v9, v8  }
0x64: {  	s2 =	sand.u32 $0x7F0, s25;
	[tilespmem:s5+$0x0] =	vst v14;
	v14 =	vadd.f32 v9, v7  }
0x65: {  	[tilespmem:s2+$0x12880] =	vst v13  }
0x66: {  	[tilespmem:s2+$0x11980] =	vst v12  }
0x67: {  	v2 =	vadd.f32 v9, v10;
	[tilespmem:s2+$0x10300] =	vst v11  }
0x68: {  	v4 =	vadd.f32 v9, v6;
	[tilespmem:s2+$0x12100] =	vst v14  }
0x69: {  	v3 =	vadd.f32 v9, v3;
	[tilespmem:s2+$0x11200] =	vst v2  }
0x6a: {  	[tilespmem:s2+$0x10A80] =	vst v4  }
0x6b: {  	[tilespmem:s2+$0xFB80] =	vst v3  }
0x6c: {  	[bflag:$0x0] =	sbarrier.arrive $0xFFFF  }
0x6d: {  	s25 =	simm.s32 $0x14400;
	s1 =	rddreg [dreg:$0x2]  }
0x6e: {  	[tilespmem:s25], [sflag:$0x3] =	stream.linear.gather [spmem:s1], $0x1000, $0x38;
	[tilespmem:$0x15500] =	vst v63  }
0x6f: {  	_ =	swait.ge [sflag:s31], $0x1000  }
0x70: {  	[sflag:s31] =	ssyncset.done $0x0  }
0x71: {  	s12 =	simm.s32 $0x13C00;
	[sflag:s31] =	ssyncadd.s32 $0xFFFFF000  }
0x72: {  	v2 =	vld [tilespmem:s12+$0x0];
	_ =	sdelay $0x1  }
0x73: {  	s6 =	simm.s32 $0x14000;
	s1 =	simm.s32 $0x0  }
0x74: {  	s22 =	sand.u32 $0x3F0, s1;
	v3 =	vld [tilespmem:s6+$0x0]  }
0x75: {  	v58 =	vld [tilespmem:s22+$0x15000]  }
0x76: {  	v59 =	vld [tilespmem:s22+$0x14C00];
	v5 =	vshll.u32 v2, $0x4  }
0x77: {  	s26 =	simm.s32 $0x13800;
	v7 =	vld [tilespmem:s25+$0x0]  }
0x78: {  	v8 =	vld [tilespmem:s26+$0x0]  }
0x79: {  	s5 =	sand.u32 $0x4, s1  }
0x7a: {  	p5 =	seq.s32 s5, $0x0;
	v60 =	vld [tilespmem:s22+$0x14800]  }
0x7b: {  	v61 =	vpsel p5, v59, v58;
	v4 =	vpsel p5, v58, v59;
	v5 =	vld.idx.msk [tilespmem:v5+s23+$0x0], $0xffff  }
0x7c: {  	v2 =	vmul.u32 $0x780, v2;
	v62 =	vsub.f32 v61, v7;
	v3 =	vmul.f32 v3, v4  }
0x7d: {  	vm0 =	vge.s32 v8, v0;
	vm1 =	vlt.s32 v8, v1  }
0x7e: {  	vm0 =	vmand vm0, vm1;
	v2 =	vsub.s32 v2, v0;
	v3 =	vadd.f32 v3, v62  }
0x7f: {  	v2 =	vadd.s32 v8, v2  }
0x80: {  	v3 =	vmul.f32 v3, v60;
	v63 =	vadd.f32 v5, v7;
	_ =	sdelay $0x1  }
0x81: {  	v3 =	vadd.f32 v3, v63;
	_ =	sdelay $0x1  }
0x82: {  	s2 =	simm.s32 $0x13C10;
	[tilespmem:v2+s0+$0x0] =	vst.idx.msk vm0, v3  }
0x83: {  	s30 =	simm.s32 $0x1;
	s5 =	simm.s32 $0x2;
	v2 =	vld [tilespmem:s2+$0x0]  }
.LBB2_14:
0x84: {  	p5 =	sne.s32 s5, $0x3F;
	_ =	sdelay $0x1  }
0x85: {  	s1 =	sadd.s32 $0x10, s1;
	s6 =	sadd.s32 $0x10, s6  }
0x86: {  	s22 =	sand.u32 $0x3F0, s1;
	v3 =	vld [tilespmem:s6+$0x0]  }
0x87: {  	v4 =	vld [tilespmem:s22+$0x15000];
	v5 =	vshll.u32 v2, $0x4  }
0x88: {  	s25 =	sadd.s32 $0x10, s25;
	v6 =	vld [tilespmem:s22+$0x14C00]  }
0x89: {  	s26 =	sadd.s32 $0x10, s26;
	v7 =	vld [tilespmem:s25+$0x0]  }
0x8a: {  	v8 =	vld [tilespmem:s26+$0x0]  }
0x8b: {  	s12 =	sand.u32 $0x4, s30;
	s30 =	smov.u32 s5  }
0x8c: {  	p6 =	seq.s32 s12, $0x0;
	v5 =	vld.idx.msk [tilespmem:v5+s23+$0x0], $0xffff  }
0x8d: {  	v9 =	vld [tilespmem:s22+$0x14800];
	v10 =	vpsel p6, v6, v4;
	v4 =	vpsel p6, v4, v6  }
0x8e: {  	v2 =	vmul.u32 $0x780, v2;
	v6 =	vsub.f32 v10, v7;
	v3 =	vmul.f32 v3, v4  }
0x8f: {  	vm0 =	vge.s32 v8, v0;
	vm1 =	vlt.s32 v8, v1  }
0x90: {  	v2 =	vsub.s32 v2, v0;
	v3 =	vadd.f32 v3, v6;
	vm0 =	vmand vm0, vm1  }
0x91: {  	v2 =	vadd.s32 v8, v2  }
0x92: {  	v4 =	vadd.f32 v5, v7;
	v3 =	vmul.f32 v3, v9  }
.Ltmp8:
0x93: {  	(pc) =	sbr.rel @p5 .LBB2_14-.Ltmp8, $3  }
0x94: {  	v3 =	vadd.f32 v3, v4;
	_ =	sdelay $0x1  }
0x95: {  	s2 =	sadd.s32 $0x10, s2;
	[tilespmem:v2+s0+$0x0] =	vst.idx.msk vm0, v3  }
0x96: {  	s5 =	sadd.s32 $0x1, s5;
	v2 =	vld [tilespmem:s2+$0x0]  }
0x97: {  	_ = 	snop  }
0x98: {  	s1 =	sadd.s32 $0x10, s1;
	s2 =	sadd.s32 $0x10, s6  }
0x99: {  	s1 =	sand.u32 $0x3F0, s1;
	v3 =	vld [tilespmem:s2+$0x0]  }
0x9a: {  	v4 =	vld [tilespmem:s1+$0x15000]  }
0x9b: {  	s25 =	sadd.s32 $0x10, s25;
	v6 =	vld [tilespmem:s1+$0x14C00];
	v5 =	vshll.u32 v2, $0x4  }
0x9c: {  	s26 =	sadd.s32 $0x10, s26;
	v7 =	vld [tilespmem:s25+$0x0]  }
0x9d: {  	v8 =	vld [tilespmem:s26+$0x0]  }
0x9e: {  	s30 =	sand.u32 $0x4, s30  }
0x9f: {  	p5 =	seq.s32 s30, $0x0;
	v9 =	vld [tilespmem:s1+$0x14800]  }
0xa0: {  	v10 =	vpsel p5, v6, v4;
	v4 =	vpsel p5, v4, v6;
	v5 =	vld.idx.msk [tilespmem:v5+s23+$0x0], $0xffff  }
0xa1: {  	v2 =	vmul.u32 $0x780, v2;
	v62 =	vsub.f32 v10, v7;
	v3 =	vmul.f32 v3, v4  }
0xa2: {  	vm0 =	vge.s32 v8, v0;
	vm1 =	vlt.s32 v8, v1  }
0xa3: {  	v2 =	vsub.s32 v2, v0;
	vm0 =	vmand vm0, vm1;
	v3 =	vadd.f32 v3, v62  }
0xa4: {  	v2 =	vadd.s32 v8, v2  }
0xa5: {  	v3 =	vmul.f32 v3, v9;
	v63 =	vadd.f32 v5, v7;
	_ =	sdelay $0x1  }
0xa6: {  	v3 =	vadd.f32 v3, v63;
	_ =	sdelay $0x1  }
0xa7: {  	[tilespmem:v2+s0+$0x0] =	vst.idx.msk vm0, v3  }
0xa8: {  	[hbm4b:s13+s3] =	stream.linear.scatter [tilespmem:s0], [sflag:$0x1], $0x780, $0x38;
	[tilespmem:$0x15500] =	vst v63  }
0xa9: {  	s5 =	simm.s32 $0xFB80  }
0xaa: {  	[hbm4b:s14+s3] =	stream.linear.scatter [tilespmem:s5], [sflag:$0x1], $0x780, $0x38;
	[tilespmem:$0x15500] =	vst v63  }
0xab: {  	s6 =	simm.s32 $0x10300  }
0xac: {  	[hbm4b:s15+s3] =	stream.linear.scatter [tilespmem:s6], [sflag:$0x1], $0x780, $0x38;
	[tilespmem:$0x15500] =	vst v63  }
0xad: {  	s12 =	simm.s32 $0x10A80  }
0xae: {  	[hbm4b:s16+s3] =	stream.linear.scatter [tilespmem:s12], [sflag:$0x1], $0x780, $0x38;
	[tilespmem:$0x15500] =	vst v63  }
0xaf: {  	s22 =	simm.s32 $0x11200  }
0xb0: {  	[hbm4b:s17+s3] =	stream.linear.scatter [tilespmem:s22], [sflag:$0x1], $0x780, $0x38;
	[tilespmem:$0x15500] =	vst v63  }
0xb1: {  	s25 =	simm.s32 $0x11980  }
0xb2: {  	[hbm4b:s18+s3] =	stream.linear.scatter [tilespmem:s25], [sflag:$0x1], $0x780, $0x38;
	[tilespmem:$0x15500] =	vst v63  }
0xb3: {  	s26 =	simm.s32 $0x12100  }
0xb4: {  	[hbm4b:s19+s3] =	stream.linear.scatter [tilespmem:s26], [sflag:$0x1], $0x780, $0x38;
	[tilespmem:$0x15500] =	vst v63  }
0xb5: {  	s30 =	simm.s32 $0x12880  }
0xb6: {  	[hbm4b:s20+s3] =	stream.linear.scatter [tilespmem:s30], [sflag:$0x1], $0x780, $0x38;
	[tilespmem:$0x15500] =	vst v63  }
0xb7: {  	_ =	swait.ge [sflag:s29], $0x780  }
0xb8: {  	[sflag:s29] =	ssyncset.done $0x0  }
0xb9: {  	[sflag:s29] =	ssyncadd.s32 $0xFFFFF880  }
0xba: {  	_ =	swait.ge [sflag:s29], $0x780  }
0xbb: {  	[sflag:s29] =	ssyncset.done $0x0  }
0xbc: {  	[sflag:s29] =	ssyncadd.s32 $0xFFFFF880  }
0xbd: {  	_ =	swait.ge [sflag:s29], $0x780  }
0xbe: {  	[sflag:s29] =	ssyncset.done $0x0  }
0xbf: {  	[sflag:s29] =	ssyncadd.s32 $0xFFFFF880  }
0xc0: {  	_ =	swait.ge [sflag:s29], $0x780  }
0xc1: {  	[sflag:s29] =	ssyncset.done $0x0  }
0xc2: {  	[sflag:s29] =	ssyncadd.s32 $0xFFFFF880  }
0xc3: {  	_ =	swait.ge [sflag:s29], $0x780  }
0xc4: {  	[sflag:s29] =	ssyncset.done $0x0  }
0xc5: {  	[sflag:s29] =	ssyncadd.s32 $0xFFFFF880  }
0xc6: {  	_ =	swait.ge [sflag:s29], $0x780  }
0xc7: {  	[sflag:s29] =	ssyncset.done $0x0  }
0xc8: {  	s24 =	sadd.s32 $0x1, s24;
	[sflag:s29] =	ssyncadd.s32 $0xFFFFF880  }
0xc9: {  	p5 =	sne.s32 s24, s21;
	_ =	swait.ge [sflag:s29], $0x780  }
.Ltmp9:
0xca: {  	[sflag:s29] =	ssyncset.done $0x0;
	(pc) =	sbr.rel @p5 .LBB2_1-.Ltmp9, $4  }
0xcb: {  	[sflag:s29] =	ssyncadd.s32 $0xFFFFF880  }
0xcc: {  	_ =	swait.ge [sflag:s29], $0x780  }
0xcd: {  	[sflag:s29] =	ssyncset.done $0x0  }
0xce: {  	[sflag:s29] =	ssyncadd.s32 $0xFFFFF880  }
0xcf: {  	_ =	sfence.sel $0x180000  }
0xd0: {  	[bflag:$0x0] =	sbarrier.arrive $0xFFFF  }
0xd1: {  	_ =	strace $0x90000047  }
0xd2: {  	s0 =	stileid.u32;
	[bflag:$0x2] =	sbarrier.arrive $0xFFFF  }
0xd3: {  	p0 =	sne.s32 s0, $0x0;
	s0 =	rddreg [dreg:$0x3]  }
0xd4: {  	s0 =	sadd.s32 @!p0 $0x100000, s0  }
0xd5: {  	[sflag:s0] =	ssyncadd.tile.s32 @!p0 $0x1;
	_ =	shalt  }
.Lfunc_end2:
_tile_overlayer_lowered:
.L_overlay_start_2:
0xd6: {  	(tag) =	ssettag $0x2  }
0xd7: {  	s0 =	rddreg [dreg:$0x0];
	s2 =	stileid.u32  }
0xd8: {  	s1 =	rddreg [dreg:$0x1];
	p0 =	sne.s32 s2, $0x0  }
0xd9: {  	s3 =	rddreg [dreg:$0x2];
	[bflag:$0x3] =	sbarrier.arrive $0xFFFF;
	s2 =	simm.s32 @!p0 $0x1C03  }
0xda: {  	[timem:s3], [sflag:s2] =	dma.local @!p0 [hbm:s0], s1  }
0xdb: {  	s0 =	simm.s32 @!p0 $0x3  }
0xdc: {  	_ =	swait.ge @!p0 [sflag:s0], s1  }
0xdd: {  	s1 =	ssub.s32 @!p0 $0x0, s1;
	[sflag:s0] =	ssyncset.done @!p0 $0x0  }
0xde: {  	[sflag:s0] =	ssyncadd.s32 @!p0 s1  }
0xdf: {  	[bflag:$0x3] =	sbarrier.arrive $0xFFFF  }
0xe0: {  	_ =	shalt  }

</sc_bundles>
